<compile_context>
chip_gen: v7x
topology: tpu7x:2x2x1
jax: 0.10.2.dev20260603
libtpu: 0.0.44.dev20260713+nightly
codegen_flags: <defaults>
</compile_context>

<pallas_src>
import functools

import jax
import jax.numpy as jnp
from jax import lax
from jax.experimental import pallas as pl
from jax.experimental.pallas import tpu as pltpu
from jax.experimental.pallas import tpu_sc as plsc

N = 10000
D = 128
XW = 136
MSG = 32
NDEG = 11
E = 320000

NC, NS, K = 2, 16, 80
NW = NC * NS
NSC = 5
SCH = 25
CH = NSC * SCH
EPT = CH * K
NPAD = 10112
RPT = NPAD // NS

_sc_mesh = plsc.VectorSubcoreMesh(core_axis_name="c", subcore_axis_name="s")


@functools.partial(
    pl.kernel,
    out_type=jax.ShapeDtypeStruct((NC * NPAD, XW), jnp.float32),
    mesh=_sc_mesh,
    compiler_params=pltpu.CompilerParams(use_tc_tiling_on_sc=False),
    scratch_types=[
        pltpu.VMEM((SCH, K), jnp.int32),
        pltpu.VMEM((SCH, K), jnp.int32),
        pltpu.VMEM((K, XW), jnp.float32),
        pltpu.VMEM((K, XW), jnp.float32),
        pltpu.VMEM_SHARED((NPAD, XW), jnp.float32),
        pltpu.SemaphoreType.DMA,
        pltpu.SemaphoreType.DMA,
    ],
)
def _sc_segment_sum(x_hbm, src_hbm, dst_hbm, zh_hbm,
                    ph_hbm,
                    src_v, dst_v, buf0, buf1, ha, sem0, sem1):
    c = lax.axis_index("c")
    s = lax.axis_index("s")
    wid = c * NS + s
    r0 = s * RPT

    pltpu.sync_copy(zh_hbm, ha.at[pl.ds(r0, RPT)])
    plsc.subcore_barrier()

    for g in range(NSC):
        pltpu.sync_copy(src_hbm.at[wid * NSC + g], src_v)
        pltpu.sync_copy(dst_hbm.at[wid * NSC + g], dst_v)
        pltpu.async_copy(x_hbm.at[src_v.at[0]], buf0, sem0)

        def step(t, carry):
            j0 = t * 2
            j1 = j0 + 1
            pltpu.async_copy(x_hbm.at[src_v.at[j1]], buf1, sem1)
            pltpu.make_async_copy(x_hbm.at[src_v.at[j0]], buf0, sem0).wait()
            pltpu.sync_copy(buf0, ha.at[dst_v.at[j0]], add=True)
            pltpu.async_copy(x_hbm.at[src_v.at[j0 + 2]], buf0, sem0)
            pltpu.make_async_copy(x_hbm.at[src_v.at[j1]], buf1, sem1).wait()
            pltpu.sync_copy(buf1, ha.at[dst_v.at[j1]], add=True)
            return carry

        lax.fori_loop(0, SCH // 2, step, 0)
        pltpu.make_async_copy(x_hbm.at[src_v.at[SCH - 1]], buf0, sem0).wait()
        pltpu.sync_copy(buf0, ha.at[dst_v.at[SCH - 1]], add=True)

    plsc.subcore_barrier()
    pltpu.sync_copy(ha.at[pl.ds(r0, RPT)], ph_hbm.at[pl.ds(c * NPAD + r0, RPT)])


GB = 10
BR = N // GB


def _tc_body(ph_ref, x_ref, a_ref, b_ref, bc_ref, w1_ref, b1_ref,
             w2_ref, b2_ref, emb_ref, out_ref):
    hw = ph_ref[0] + ph_ref[1]
    h = hw[:, :D]
    deg = jnp.minimum(hw[:, D:D + 1], float(NDEG - 1))
    xb = x_ref[...]
    r = (jnp.dot(h, a_ref[...], preferred_element_type=jnp.float32)
         + jnp.dot(xb, b_ref[...], preferred_element_type=jnp.float32)
         + bc_ref[...])
    conv = jnp.zeros((BR, MSG), jnp.float32)
    for i in range(NDEG):
        conv = jnp.where(deg == float(i), r[:, i * MSG:(i + 1) * MSG], conv)
    emb_ref[...] = conv
    t = jnp.maximum(conv, 0.0)
    t = jnp.dot(t, w1_ref[...], preferred_element_type=jnp.float32) + b1_ref[...]
    out_ref[...] = (jnp.dot(t, w2_ref[...], preferred_element_type=jnp.float32)
                    + b2_ref[...])


_tc_dense = pl.pallas_call(
    _tc_body,
    grid=(GB,),
    in_specs=[
        pl.BlockSpec((NC, BR, XW), lambda g: (0, g, 0)),
        pl.BlockSpec((BR, D), lambda g: (g, 0)),
        pl.BlockSpec((D, NDEG * MSG), lambda g: (0, 0)),
        pl.BlockSpec((D, NDEG * MSG), lambda g: (0, 0)),
        pl.BlockSpec((NDEG * MSG,), lambda g: (0,)),
        pl.BlockSpec((MSG, MSG), lambda g: (0, 0)),
        pl.BlockSpec((MSG,), lambda g: (0,)),
        pl.BlockSpec((MSG, MSG), lambda g: (0, 0)),
        pl.BlockSpec((MSG,), lambda g: (0,)),
    ],
    out_specs=[
        pl.BlockSpec((BR, MSG), lambda g: (g, 0)),
        pl.BlockSpec((BR, MSG), lambda g: (g, 0)),
    ],
    out_shape=[
        jax.ShapeDtypeStruct((N, MSG), jnp.float32),
        jax.ShapeDtypeStruct((N, MSG), jnp.float32),
    ],
)


def kernel(x, edge_index, batch, Wl, bl, Wr, W1, b1, W2, b2):
    src = edge_index[0]
    dst = edge_index[1]
    src5 = src.reshape(NW * NSC, SCH, K)
    dst5 = dst.reshape(NW * NSC, SCH, K)
    ones_col = jnp.ones((N, 1), jnp.float32)
    pad_cols = jnp.zeros((N, XW - D - 1), jnp.float32)
    xa = jnp.concatenate([x, ones_col, pad_cols], axis=1)
    zh = jnp.zeros((RPT, XW), jnp.float32)

    ph = _sc_segment_sum(xa, src5, dst5, zh)

    a = jnp.transpose(Wl, (2, 0, 1)).reshape(D, NDEG * MSG)
    b = jnp.transpose(Wr, (2, 0, 1)).reshape(D, NDEG * MSG)
    bc = bl.reshape(NDEG * MSG)

    emb, out = _tc_dense(ph.reshape(NC, NPAD, XW), x, a, b, bc,
                         W1.T, b1, W2.T, b2)
    return emb, out

# --- scband reference (transcript-rebuilt; emitter-appended) ---
"""Pipeline reference for scband-message-passing-net-73864847557249 (READ-ONLY COPY).

The authoritative reference and input builder live on the scoring server;
editing this copy changes nothing except your own understanding.
"""

import jax, jax.numpy as jnp
import numpy as np

N = 10000
E = 320000
IN_DIM = 128
MSG_DIM = 32
HID_DIM = 32
OUT_DIM = 32
MAX_DEG = 10


def setup_inputs(seed: int = 0) -> dict:
    key = jax.random.key(seed)
    ks = jax.random.split(key, 12)
    x = jax.random.normal(ks[0], (N, IN_DIM), dtype=jnp.float32)
    edge_index = jax.random.randint(ks[1], (2, E), 0, N, dtype=jnp.int32)
    batch = jnp.zeros((N,), dtype=jnp.int32)
    s = 1.0 / np.sqrt(IN_DIM)
    Wl = jax.random.uniform(ks[2], (MAX_DEG + 1, MSG_DIM, IN_DIM), jnp.float32, -s, s)
    bl = jax.random.uniform(ks[3], (MAX_DEG + 1, MSG_DIM), jnp.float32, -s, s)
    Wr = jax.random.uniform(ks[4], (MAX_DEG + 1, MSG_DIM, IN_DIM), jnp.float32, -s, s)
    s1 = 1.0 / np.sqrt(MSG_DIM)
    W1 = jax.random.uniform(ks[5], (HID_DIM, MSG_DIM), jnp.float32, -s1, s1)
    b1 = jax.random.uniform(ks[6], (HID_DIM,), jnp.float32, -s1, s1)
    s2 = 1.0 / np.sqrt(HID_DIM)
    W2 = jax.random.uniform(ks[7], (OUT_DIM, HID_DIM), jnp.float32, -s2, s2)
    b2 = jax.random.uniform(ks[8], (OUT_DIM,), jnp.float32, -s2, s2)
    return {"x": x, "edge_index": edge_index, "batch": batch, "Wl": Wl, "bl": bl, "Wr": Wr, "W1": W1, "b1": b1, "W2": W2, "b2": b2}


def _mfconv(x, edge_index, Wl, bl, Wr):
    # PyG MFConv: per-degree weights, sum aggregation of neighbor features.
    src, dst = edge_index[0], edge_index[1]
    deg = jnp.clip(jnp.bincount(dst, length=N), 0, MAX_DEG)
    h = jax.ops.segment_sum(x[src], dst, num_segments=N)
    out = jnp.zeros((x.shape[0], Wl.shape[1]), dtype=x.dtype)
    for i in range(MAX_DEG + 1):
        r = h @ Wl[i].T + bl[i] + x @ Wr[i].T
        out = jnp.where((deg == i)[:, None], r, out)
    return out


def reference(x, edge_index, batch, Wl, bl, Wr, W1, b1, W2, b2):
    conv = _mfconv(x, edge_index, Wl, bl, Wr)
    emb = conv
    h = jax.nn.relu(conv)
    # dropout is identity at inference (training=False)
    h = h @ W1.T + b1
    out = h @ W2.T + b2
    # task == 'node': no global_add_pool, batch unused
    return (emb, out)

if __name__ == "__main__":
    import jax
    _d = setup_inputs()
    print(jax.jit(kernel)(*tuple(_d.values())))

</pallas_src>

<mosaic_0001>
#map = affine_map<(d0, d1) -> (0, 0)>
#map1 = affine_map<(d0, d1) -> (0, 0, 0)>
module attributes {stable_mosaic.version = 14 : i64} {
  func.func @_sc_segment_sum(%arg0: i32, %arg1: i32, %arg2: memref<10000x136xf32, #tpu.memory_space<hbm>>, %arg3: memref<160x25x80xi32, #tpu.memory_space<hbm>>, %arg4: memref<160x25x80xi32, #tpu.memory_space<hbm>>, %arg5: memref<632x136xf32, #tpu.memory_space<hbm>>, %arg6: memref<20224x136xf32, #tpu.memory_space<hbm>>, %arg7: memref<25x80xi32, #tpu.memory_space<vmem>>, %arg8: memref<25x80xi32, #tpu.memory_space<vmem>>, %arg9: memref<80x136xf32, #tpu.memory_space<vmem>>, %arg10: memref<80x136xf32, #tpu.memory_space<vmem>>, %arg11: memref<10112x136xf32, #tpu.memory_space<vmem_shared>>, %arg12: memref<!tpu.dma_semaphore, #tpu.memory_space<semaphore_mem>>, %arg13: memref<!tpu.dma_semaphore, #tpu.memory_space<semaphore_mem>>) attributes {dimension_semantics = [#tpu.dimension_semantics<core_parallel>, #tpu.dimension_semantics<subcore_parallel>], iteration_bounds = array<i64: 2, 16>, scalar_prefetch = 0 : i64, scratch_operands = 7 : i64, tpu.core_type = #tpu.core_type<sc_vector_subcore>, window_params = [{transform_indices = #map}, {transform_indices = #map1}, {transform_indices = #map1}, {transform_indices = #map}, {transform_indices = #map}]} {
    %mul3A = arith.constant 16 : i32
    %mul3A_0 = arith.muli %arg0, %mul3A : i32
    %add3A = arith.addi %mul3A_0, %arg1 : i32
    %mul3A_1 = arith.constant 632 : i32
    %mul3A_2 = arith.muli %arg1, %mul3A_1 : i32
    "tpu.region"() ({
      %run_scoped3A_148 = tpu.sem_alloc : memref<!tpu.dma_semaphore, #tpu.memory_space<semaphore_mem>>
      %dma_start3A_149 = arith.constant 0 : i32
      %dma_start3A_150 = tpu.memref_slice %arg11[%mul3A_2, %dma_start3A_149] : memref<10112x136xf32, #tpu.memory_space<vmem_shared>> -> memref<632x136xf32, #tpu.memory_space<vmem_shared>>
      tpu.enqueue_dma source(%arg5 : memref<632x136xf32, #tpu.memory_space<hbm>>) target(%dma_start3A_150 : memref<632x136xf32, #tpu.memory_space<vmem_shared>>) target_semaphore(%run_scoped3A_148 : memref<!tpu.dma_semaphore, #tpu.memory_space<semaphore_mem>>)
      %dma_wait3A_151 = arith.constant 0 : i32
      %dma_wait3A_152 = tpu.memref_slice %arg11[%mul3A_2, %dma_wait3A_151] : memref<10112x136xf32, #tpu.memory_space<vmem_shared>> -> memref<632x136xf32, #tpu.memory_space<vmem_shared>>
      tpu.wait_dma2 semaphore(%run_scoped3A_148 : memref<!tpu.dma_semaphore, #tpu.memory_space<semaphore_mem>>) src(%arg5 : memref<632x136xf32, #tpu.memory_space<hbm>>) dst(%dma_wait3A_152 : memref<632x136xf32, #tpu.memory_space<vmem_shared>>)
      tpu.yield
    }) : () -> ()
    %barrier3A = arith.constant 0 : index
    tpu.barrier barrier_id(%barrier3A)
    %mul3A_3 = arith.constant 5 : i32
    %mul3A_4 = arith.muli %add3A, %mul3A_3 : i32
    %add3A_5 = arith.constant 0 : i32
    %add3A_6 = arith.addi %mul3A_4, %add3A_5 : i32
    "tpu.region"() ({
      %run_scoped3A_148 = tpu.sem_alloc : memref<!tpu.dma_semaphore, #tpu.memory_space<semaphore_mem>>
      %dma_start3A_149 = arith.constant 0 : i32
      %dma_start3A_150 = arith.constant 0 : i32
      %dma_start3A_151 = tpu.memref_slice %arg3[%add3A_6, %dma_start3A_149, %dma_start3A_150] : memref<160x25x80xi32, #tpu.memory_space<hbm>> -> memref<1x25x80xi32, #tpu.memory_space<hbm>>
      %dma_start3A_152 = tpu.memref_squeeze %dma_start3A_151 : memref<1x25x80xi32, #tpu.memory_space<hbm>> -> memref<25x80xi32, #tpu.memory_space<hbm>>
      %dma_start3A_153 = arith.constant 0 : i32
      %dma_start3A_154 = arith.constant 0 : i32
      %dma_start3A_155 = tpu.memref_slice %arg3[%add3A_6, %dma_start3A_153, %dma_start3A_154] : memref<160x25x80xi32, #tpu.memory_space<hbm>> -> memref<1x25x80xi32, #tpu.memory_space<hbm>>
      %dma_start3A_156 = tpu.memref_squeeze %dma_start3A_155 : memref<1x25x80xi32, #tpu.memory_space<hbm>> -> memref<25x80xi32, #tpu.memory_space<hbm>>
      tpu.enqueue_dma source(%dma_start3A_156 : memref<25x80xi32, #tpu.memory_space<hbm>>) target(%arg7 : memref<25x80xi32, #tpu.memory_space<vmem>>) target_semaphore(%run_scoped3A_148 : memref<!tpu.dma_semaphore, #tpu.memory_space<semaphore_mem>>)
      %dma_wait3A_157 = arith.constant 0 : i32
      %dma_wait3A_158 = arith.constant 0 : i32
      %dma_wait3A_159 = tpu.memref_slice %arg3[%add3A_6, %dma_wait3A_157, %dma_wait3A_158] : memref<160x25x80xi32, #tpu.memory_space<hbm>> -> memref<1x25x80xi32, #tpu.memory_space<hbm>>
      %dma_wait3A_160 = tpu.memref_squeeze %dma_wait3A_159 : memref<1x25x80xi32, #tpu.memory_space<hbm>> -> memref<25x80xi32, #tpu.memory_space<hbm>>
      %dma_wait3A_161 = arith.constant 0 : i32
      %dma_wait3A_162 = arith.constant 0 : i32
      %dma_wait3A_163 = tpu.memref_slice %arg3[%add3A_6, %dma_wait3A_161, %dma_wait3A_162] : memref<160x25x80xi32, #tpu.memory_space<hbm>> -> memref<1x25x80xi32, #tpu.memory_space<hbm>>
      %dma_wait3A_164 = tpu.memref_squeeze %dma_wait3A_163 : memref<1x25x80xi32, #tpu.memory_space<hbm>> -> memref<25x80xi32, #tpu.memory_space<hbm>>
      tpu.wait_dma2 semaphore(%run_scoped3A_148 : memref<!tpu.dma_semaphore, #tpu.memory_space<semaphore_mem>>) src(%dma_wait3A_164 : memref<25x80xi32, #tpu.memory_space<hbm>>) dst(%arg7 : memref<25x80xi32, #tpu.memory_space<vmem>>)
      tpu.yield
    }) : () -> ()
    %mul3A_7 = arith.constant 5 : i32
    %mul3A_8 = arith.muli %add3A, %mul3A_7 : i32
    %add3A_9 = arith.constant 0 : i32
    %add3A_10 = arith.addi %mul3A_8, %add3A_9 : i32
    "tpu.region"() ({
      %run_scoped3A_148 = tpu.sem_alloc : memref<!tpu.dma_semaphore, #tpu.memory_space<semaphore_mem>>
      %dma_start3A_149 = arith.constant 0 : i32
      %dma_start3A_150 = arith.constant 0 : i32
      %dma_start3A_151 = tpu.memref_slice %arg4[%add3A_10, %dma_start3A_149, %dma_start3A_150] : memref<160x25x80xi32, #tpu.memory_space<hbm>> -> memref<1x25x80xi32, #tpu.memory_space<hbm>>
      %dma_start3A_152 = tpu.memref_squeeze %dma_start3A_151 : memref<1x25x80xi32, #tpu.memory_space<hbm>> -> memref<25x80xi32, #tpu.memory_space<hbm>>
      %dma_start3A_153 = arith.constant 0 : i32
      %dma_start3A_154 = arith.constant 0 : i32
      %dma_start3A_155 = tpu.memref_slice %arg4[%add3A_10, %dma_start3A_153, %dma_start3A_154] : memref<160x25x80xi32, #tpu.memory_space<hbm>> -> memref<1x25x80xi32, #tpu.memory_space<hbm>>
      %dma_start3A_156 = tpu.memref_squeeze %dma_start3A_155 : memref<1x25x80xi32, #tpu.memory_space<hbm>> -> memref<25x80xi32, #tpu.memory_space<hbm>>
      tpu.enqueue_dma source(%dma_start3A_156 : memref<25x80xi32, #tpu.memory_space<hbm>>) target(%arg8 : memref<25x80xi32, #tpu.memory_space<vmem>>) target_semaphore(%run_scoped3A_148 : memref<!tpu.dma_semaphore, #tpu.memory_space<semaphore_mem>>)
      %dma_wait3A_157 = arith.constant 0 : i32
      %dma_wait3A_158 = arith.constant 0 : i32
      %dma_wait3A_159 = tpu.memref_slice %arg4[%add3A_10, %dma_wait3A_157, %dma_wait3A_158] : memref<160x25x80xi32, #tpu.memory_space<hbm>> -> memref<1x25x80xi32, #tpu.memory_space<hbm>>
      %dma_wait3A_160 = tpu.memref_squeeze %dma_wait3A_159 : memref<1x25x80xi32, #tpu.memory_space<hbm>> -> memref<25x80xi32, #tpu.memory_space<hbm>>
      %dma_wait3A_161 = arith.constant 0 : i32
      %dma_wait3A_162 = arith.constant 0 : i32
      %dma_wait3A_163 = tpu.memref_slice %arg4[%add3A_10, %dma_wait3A_161, %dma_wait3A_162] : memref<160x25x80xi32, #tpu.memory_space<hbm>> -> memref<1x25x80xi32, #tpu.memory_space<hbm>>
      %dma_wait3A_164 = tpu.memref_squeeze %dma_wait3A_163 : memref<1x25x80xi32, #tpu.memory_space<hbm>> -> memref<25x80xi32, #tpu.memory_space<hbm>>
      tpu.wait_dma2 semaphore(%run_scoped3A_148 : memref<!tpu.dma_semaphore, #tpu.memory_space<semaphore_mem>>) src(%dma_wait3A_164 : memref<25x80xi32, #tpu.memory_space<hbm>>) dst(%arg8 : memref<25x80xi32, #tpu.memory_space<vmem>>)
      tpu.yield
    }) : () -> ()
    %dma_start3A = arith.constant 0 : i32
    %dma_start3A_11 = arith.constant 0 : i32
    %dma_start3A_12 = tpu.memref_slice %arg7[%dma_start3A, %dma_start3A_11] : memref<25x80xi32, #tpu.memory_space<vmem>> -> memref<1x80xi32, #tpu.memory_space<vmem>>
    %dma_start3A_13 = tpu.memref_squeeze %dma_start3A_12 : memref<1x80xi32, #tpu.memory_space<vmem>> -> memref<80xi32, #tpu.memory_space<vmem>>
    %dma_start3A_14 = arith.constant 0 : i32
    %dma_start3A_15 = arith.constant 0 : i32
    %dma_start3A_16 = tpu.memref_slice %arg2[%dma_start3A_14, %dma_start3A_15] : memref<10000x136xf32, #tpu.memory_space<hbm>> -> memref<10000x136xf32, #tpu.memory_space<hbm>>
    tpu.enqueue_indirect_dma source(%dma_start3A_16 : memref<10000x136xf32, #tpu.memory_space<hbm>>) target(%arg9 : memref<80x136xf32, #tpu.memory_space<vmem>>) offsets(%dma_start3A_13 : memref<80xi32, #tpu.memory_space<vmem>>) semaphore(%arg12 : memref<!tpu.dma_semaphore, #tpu.memory_space<semaphore_mem>>)
    %scan3A = arith.constant 0 : i32
    %scan3A_17 = arith.constant 0 : i32
    %scan3A_18 = arith.constant 12 : i32
    %scan3A_19 = arith.addi %scan3A_17, %scan3A_18 : i32
    %scan3A_20 = arith.constant 1 : i32
    scf.for %scan3A_148 = %scan3A_17 to %scan3A_19 step %scan3A_20  : i32 {
      %mul3A_149 = arith.constant 2 : i32
      %mul3A_150 = arith.muli %scan3A_148, %mul3A_149 : i32
      %add3A_151 = arith.constant 1 : i32
      %add3A_152 = arith.addi %mul3A_150, %add3A_151 : i32
      %dma_start3A_153 = arith.constant 0 : i32
      %dma_start3A_154 = tpu.memref_slice %arg7[%add3A_152, %dma_start3A_153] : memref<25x80xi32, #tpu.memory_space<vmem>> -> memref<1x80xi32, #tpu.memory_space<vmem>>
      %dma_start3A_155 = tpu.memref_squeeze %dma_start3A_154 : memref<1x80xi32, #tpu.memory_space<vmem>> -> memref<80xi32, #tpu.memory_space<vmem>>
      %dma_start3A_156 = arith.constant 0 : i32
      %dma_start3A_157 = arith.constant 0 : i32
      %dma_start3A_158 = tpu.memref_slice %arg2[%dma_start3A_156, %dma_start3A_157] : memref<10000x136xf32, #tpu.memory_space<hbm>> -> memref<10000x136xf32, #tpu.memory_space<hbm>>
      tpu.enqueue_indirect_dma source(%dma_start3A_158 : memref<10000x136xf32, #tpu.memory_space<hbm>>) target(%arg10 : memref<80x136xf32, #tpu.memory_space<vmem>>) offsets(%dma_start3A_155 : memref<80xi32, #tpu.memory_space<vmem>>) semaphore(%arg13 : memref<!tpu.dma_semaphore, #tpu.memory_space<semaphore_mem>>)
      %dma_wait3A_159 = arith.constant 0 : i32
      %dma_wait3A_160 = tpu.memref_slice %arg7[%mul3A_150, %dma_wait3A_159] : memref<25x80xi32, #tpu.memory_space<vmem>> -> memref<1x80xi32, #tpu.memory_space<vmem>>
      %dma_wait3A_161 = tpu.memref_squeeze %dma_wait3A_160 : memref<1x80xi32, #tpu.memory_space<vmem>> -> memref<80xi32, #tpu.memory_space<vmem>>
      %dma_wait3A_162 = arith.constant 0 : i32
      %dma_wait3A_163 = arith.constant 0 : i32
      %dma_wait3A_164 = tpu.memref_slice %arg2[%dma_wait3A_162, %dma_wait3A_163] : memref<10000x136xf32, #tpu.memory_space<hbm>> -> memref<10000x136xf32, #tpu.memory_space<hbm>>
      tpu.wait_indirect_dma semaphore(%arg12 : memref<!tpu.dma_semaphore, #tpu.memory_space<semaphore_mem>>) src(%dma_wait3A_164 : memref<10000x136xf32, #tpu.memory_space<hbm>>) dst(%arg9 : memref<80x136xf32, #tpu.memory_space<vmem>>)
      "tpu.region"() ({
        %run_scoped3A_179 = tpu.sem_alloc : memref<!tpu.dma_semaphore, #tpu.memory_space<semaphore_mem>>
        %dma_start3A_180 = arith.constant 0 : i32
        %dma_start3A_181 = tpu.memref_slice %arg8[%mul3A_150, %dma_start3A_180] : memref<25x80xi32, #tpu.memory_space<vmem>> -> memref<1x80xi32, #tpu.memory_space<vmem>>
        %dma_start3A_182 = tpu.memref_squeeze %dma_start3A_181 : memref<1x80xi32, #tpu.memory_space<vmem>> -> memref<80xi32, #tpu.memory_space<vmem>>
        %dma_start3A_183 = arith.constant 0 : i32
        %dma_start3A_184 = arith.constant 0 : i32
        %dma_start3A_185 = tpu.memref_slice %arg11[%dma_start3A_183, %dma_start3A_184] : memref<10112x136xf32, #tpu.memory_space<vmem_shared>> -> memref<10112x136xf32, #tpu.memory_space<vmem_shared>>
        tpu.enqueue_indirect_dma source(%arg9 : memref<80x136xf32, #tpu.memory_space<vmem>>) target(%dma_start3A_185 : memref<10112x136xf32, #tpu.memory_space<vmem_shared>>) offsets(%dma_start3A_182 : memref<80xi32, #tpu.memory_space<vmem>>) semaphore(%run_scoped3A_179 : memref<!tpu.dma_semaphore, #tpu.memory_space<semaphore_mem>>) {add = true}
        %dma_wait3A_186 = arith.constant 0 : i32
        %dma_wait3A_187 = tpu.memref_slice %arg8[%mul3A_150, %dma_wait3A_186] : memref<25x80xi32, #tpu.memory_space<vmem>> -> memref<1x80xi32, #tpu.memory_space<vmem>>
        %dma_wait3A_188 = tpu.memref_squeeze %dma_wait3A_187 : memref<1x80xi32, #tpu.memory_space<vmem>> -> memref<80xi32, #tpu.memory_space<vmem>>
        %dma_wait3A_189 = arith.constant 0 : i32
        %dma_wait3A_190 = arith.constant 0 : i32
        %dma_wait3A_191 = tpu.memref_slice %arg11[%dma_wait3A_189, %dma_wait3A_190] : memref<10112x136xf32, #tpu.memory_space<vmem_shared>> -> memref<10112x136xf32, #tpu.memory_space<vmem_shared>>
        tpu.wait_indirect_dma semaphore(%run_scoped3A_179 : memref<!tpu.dma_semaphore, #tpu.memory_space<semaphore_mem>>) src(%arg9 : memref<80x136xf32, #tpu.memory_space<vmem>>) dst(%dma_wait3A_191 : memref<10112x136xf32, #tpu.memory_space<vmem_shared>>)
        tpu.yield
      }) : () -> ()
      %add3A_165 = arith.constant 2 : i32
      %add3A_166 = arith.addi %mul3A_150, %add3A_165 : i32
      %dma_start3A_167 = arith.constant 0 : i32
      %dma_start3A_168 = tpu.memref_slice %arg7[%add3A_166, %dma_start3A_167] : memref<25x80xi32, #tpu.memory_space<vmem>> -> memref<1x80xi32, #tpu.memory_space<vmem>>
      %dma_start3A_169 = tpu.memref_squeeze %dma_start3A_168 : memref<1x80xi32, #tpu.memory_space<vmem>> -> memref<80xi32, #tpu.memory_space<vmem>>
      %dma_start3A_170 = arith.constant 0 : i32
      %dma_start3A_171 = arith.constant 0 : i32
      %dma_start3A_172 = tpu.memref_slice %arg2[%dma_start3A_170, %dma_start3A_171] : memref<10000x136xf32, #tpu.memory_space<hbm>> -> memref<10000x136xf32, #tpu.memory_space<hbm>>
      tpu.enqueue_indirect_dma source(%dma_start3A_172 : memref<10000x136xf32, #tpu.memory_space<hbm>>) target(%arg9 : memref<80x136xf32, #tpu.memory_space<vmem>>) offsets(%dma_start3A_169 : memref<80xi32, #tpu.memory_space<vmem>>) semaphore(%arg12 : memref<!tpu.dma_semaphore, #tpu.memory_space<semaphore_mem>>)
      %dma_wait3A_173 = arith.constant 0 : i32
      %dma_wait3A_174 = tpu.memref_slice %arg7[%add3A_152, %dma_wait3A_173] : memref<25x80xi32, #tpu.memory_space<vmem>> -> memref<1x80xi32, #tpu.memory_space<vmem>>
      %dma_wait3A_175 = tpu.memref_squeeze %dma_wait3A_174 : memref<1x80xi32, #tpu.memory_space<vmem>> -> memref<80xi32, #tpu.memory_space<vmem>>
      %dma_wait3A_176 = arith.constant 0 : i32
      %dma_wait3A_177 = arith.constant 0 : i32
      %dma_wait3A_178 = tpu.memref_slice %arg2[%dma_wait3A_176, %dma_wait3A_177] : memref<10000x136xf32, #tpu.memory_space<hbm>> -> memref<10000x136xf32, #tpu.memory_space<hbm>>
      tpu.wait_indirect_dma semaphore(%arg13 : memref<!tpu.dma_semaphore, #tpu.memory_space<semaphore_mem>>) src(%dma_wait3A_178 : memref<10000x136xf32, #tpu.memory_space<hbm>>) dst(%arg10 : memref<80x136xf32, #tpu.memory_space<vmem>>)
      "tpu.region"() ({
        %run_scoped3A_179 = tpu.sem_alloc : memref<!tpu.dma_semaphore, #tpu.memory_space<semaphore_mem>>
        %dma_start3A_180 = arith.constant 0 : i32
        %dma_start3A_181 = tpu.memref_slice %arg8[%add3A_152, %dma_start3A_180] : memref<25x80xi32, #tpu.memory_space<vmem>> -> memref<1x80xi32, #tpu.memory_space<vmem>>
        %dma_start3A_182 = tpu.memref_squeeze %dma_start3A_181 : memref<1x80xi32, #tpu.memory_space<vmem>> -> memref<80xi32, #tpu.memory_space<vmem>>
        %dma_start3A_183 = arith.constant 0 : i32
        %dma_start3A_184 = arith.constant 0 : i32
        %dma_start3A_185 = tpu.memref_slice %arg11[%dma_start3A_183, %dma_start3A_184] : memref<10112x136xf32, #tpu.memory_space<vmem_shared>> -> memref<10112x136xf32, #tpu.memory_space<vmem_shared>>
        tpu.enqueue_indirect_dma source(%arg10 : memref<80x136xf32, #tpu.memory_space<vmem>>) target(%dma_start3A_185 : memref<10112x136xf32, #tpu.memory_space<vmem_shared>>) offsets(%dma_start3A_182 : memref<80xi32, #tpu.memory_space<vmem>>) semaphore(%run_scoped3A_179 : memref<!tpu.dma_semaphore, #tpu.memory_space<semaphore_mem>>) {add = true}
        %dma_wait3A_186 = arith.constant 0 : i32
        %dma_wait3A_187 = tpu.memref_slice %arg8[%add3A_152, %dma_wait3A_186] : memref<25x80xi32, #tpu.memory_space<vmem>> -> memref<1x80xi32, #tpu.memory_space<vmem>>
        %dma_wait3A_188 = tpu.memref_squeeze %dma_wait3A_187 : memref<1x80xi32, #tpu.memory_space<vmem>> -> memref<80xi32, #tpu.memory_space<vmem>>
        %dma_wait3A_189 = arith.constant 0 : i32
        %dma_wait3A_190 = arith.constant 0 : i32
        %dma_wait3A_191 = tpu.memref_slice %arg11[%dma_wait3A_189, %dma_wait3A_190] : memref<10112x136xf32, #tpu.memory_space<vmem_shared>> -> memref<10112x136xf32, #tpu.memory_space<vmem_shared>>
        tpu.wait_indirect_dma semaphore(%run_scoped3A_179 : memref<!tpu.dma_semaphore, #tpu.memory_space<semaphore_mem>>) src(%arg10 : memref<80x136xf32, #tpu.memory_space<vmem>>) dst(%dma_wait3A_191 : memref<10112x136xf32, #tpu.memory_space<vmem_shared>>)
        tpu.yield
      }) : () -> ()
    }
    %scan3A_21 = arith.constant 12 : i32
    %dma_wait3A = arith.constant 24 : i32
    %dma_wait3A_22 = arith.constant 0 : i32
    %dma_wait3A_23 = tpu.memref_slice %arg7[%dma_wait3A, %dma_wait3A_22] : memref<25x80xi32, #tpu.memory_space<vmem>> -> memref<1x80xi32, #tpu.memory_space<vmem>>
    %dma_wait3A_24 = tpu.memref_squeeze %dma_wait3A_23 : memref<1x80xi32, #tpu.memory_space<vmem>> -> memref<80xi32, #tpu.memory_space<vmem>>
    %dma_wait3A_25 = arith.constant 0 : i32
    %dma_wait3A_26 = arith.constant 0 : i32
    %dma_wait3A_27 = tpu.memref_slice %arg2[%dma_wait3A_25, %dma_wait3A_26] : memref<10000x136xf32, #tpu.memory_space<hbm>> -> memref<10000x136xf32, #tpu.memory_space<hbm>>
    tpu.wait_indirect_dma semaphore(%arg12 : memref<!tpu.dma_semaphore, #tpu.memory_space<semaphore_mem>>) src(%dma_wait3A_27 : memref<10000x136xf32, #tpu.memory_space<hbm>>) dst(%arg9 : memref<80x136xf32, #tpu.memory_space<vmem>>)
    %run_scoped3A = arith.constant 24 : i32
    "tpu.region"() ({
      %run_scoped3A_148 = tpu.sem_alloc : memref<!tpu.dma_semaphore, #tpu.memory_space<semaphore_mem>>
      %dma_start3A_149 = arith.constant 0 : i32
      %dma_start3A_150 = tpu.memref_slice %arg8[%run_scoped3A, %dma_start3A_149] : memref<25x80xi32, #tpu.memory_space<vmem>> -> memref<1x80xi32, #tpu.memory_space<vmem>>
      %dma_start3A_151 = tpu.memref_squeeze %dma_start3A_150 : memref<1x80xi32, #tpu.memory_space<vmem>> -> memref<80xi32, #tpu.memory_space<vmem>>
      %dma_start3A_152 = arith.constant 0 : i32
      %dma_start3A_153 = arith.constant 0 : i32
      %dma_start3A_154 = tpu.memref_slice %arg11[%dma_start3A_152, %dma_start3A_153] : memref<10112x136xf32, #tpu.memory_space<vmem_shared>> -> memref<10112x136xf32, #tpu.memory_space<vmem_shared>>
      tpu.enqueue_indirect_dma source(%arg9 : memref<80x136xf32, #tpu.memory_space<vmem>>) target(%dma_start3A_154 : memref<10112x136xf32, #tpu.memory_space<vmem_shared>>) offsets(%dma_start3A_151 : memref<80xi32, #tpu.memory_space<vmem>>) semaphore(%run_scoped3A_148 : memref<!tpu.dma_semaphore, #tpu.memory_space<semaphore_mem>>) {add = true}
      %dma_wait3A_155 = arith.constant 0 : i32
      %dma_wait3A_156 = tpu.memref_slice %arg8[%run_scoped3A, %dma_wait3A_155] : memref<25x80xi32, #tpu.memory_space<vmem>> -> memref<1x80xi32, #tpu.memory_space<vmem>>
      %dma_wait3A_157 = tpu.memref_squeeze %dma_wait3A_156 : memref<1x80xi32, #tpu.memory_space<vmem>> -> memref<80xi32, #tpu.memory_space<vmem>>
      %dma_wait3A_158 = arith.constant 0 : i32
      %dma_wait3A_159 = arith.constant 0 : i32
      %dma_wait3A_160 = tpu.memref_slice %arg11[%dma_wait3A_158, %dma_wait3A_159] : memref<10112x136xf32, #tpu.memory_space<vmem_shared>> -> memref<10112x136xf32, #tpu.memory_space<vmem_shared>>
      tpu.wait_indirect_dma semaphore(%run_scoped3A_148 : memref<!tpu.dma_semaphore, #tpu.memory_space<semaphore_mem>>) src(%arg9 : memref<80x136xf32, #tpu.memory_space<vmem>>) dst(%dma_wait3A_160 : memref<10112x136xf32, #tpu.memory_space<vmem_shared>>)
      tpu.yield
    }) : () -> ()
    %mul3A_28 = arith.constant 5 : i32
    %mul3A_29 = arith.muli %add3A, %mul3A_28 : i32
    %add3A_30 = arith.constant 1 : i32
    %add3A_31 = arith.addi %mul3A_29, %add3A_30 : i32
    "tpu.region"() ({
      %run_scoped3A_148 = tpu.sem_alloc : memref<!tpu.dma_semaphore, #tpu.memory_space<semaphore_mem>>
      %dma_start3A_149 = arith.constant 0 : i32
      %dma_start3A_150 = arith.constant 0 : i32
      %dma_start3A_151 = tpu.memref_slice %arg3[%add3A_31, %dma_start3A_149, %dma_start3A_150] : memref<160x25x80xi32, #tpu.memory_space<hbm>> -> memref<1x25x80xi32, #tpu.memory_space<hbm>>
      %dma_start3A_152 = tpu.memref_squeeze %dma_start3A_151 : memref<1x25x80xi32, #tpu.memory_space<hbm>> -> memref<25x80xi32, #tpu.memory_space<hbm>>
      %dma_start3A_153 = arith.constant 0 : i32
      %dma_start3A_154 = arith.constant 0 : i32
      %dma_start3A_155 = tpu.memref_slice %arg3[%add3A_31, %dma_start3A_153, %dma_start3A_154] : memref<160x25x80xi32, #tpu.memory_space<hbm>> -> memref<1x25x80xi32, #tpu.memory_space<hbm>>
      %dma_start3A_156 = tpu.memref_squeeze %dma_start3A_155 : memref<1x25x80xi32, #tpu.memory_space<hbm>> -> memref<25x80xi32, #tpu.memory_space<hbm>>
      tpu.enqueue_dma source(%dma_start3A_156 : memref<25x80xi32, #tpu.memory_space<hbm>>) target(%arg7 : memref<25x80xi32, #tpu.memory_space<vmem>>) target_semaphore(%run_scoped3A_148 : memref<!tpu.dma_semaphore, #tpu.memory_space<semaphore_mem>>)
      %dma_wait3A_157 = arith.constant 0 : i32
      %dma_wait3A_158 = arith.constant 0 : i32
      %dma_wait3A_159 = tpu.memref_slice %arg3[%add3A_31, %dma_wait3A_157, %dma_wait3A_158] : memref<160x25x80xi32, #tpu.memory_space<hbm>> -> memref<1x25x80xi32, #tpu.memory_space<hbm>>
      %dma_wait3A_160 = tpu.memref_squeeze %dma_wait3A_159 : memref<1x25x80xi32, #tpu.memory_space<hbm>> -> memref<25x80xi32, #tpu.memory_space<hbm>>
      %dma_wait3A_161 = arith.constant 0 : i32
      %dma_wait3A_162 = arith.constant 0 : i32
      %dma_wait3A_163 = tpu.memref_slice %arg3[%add3A_31, %dma_wait3A_161, %dma_wait3A_162] : memref<160x25x80xi32, #tpu.memory_space<hbm>> -> memref<1x25x80xi32, #tpu.memory_space<hbm>>
      %dma_wait3A_164 = tpu.memref_squeeze %dma_wait3A_163 : memref<1x25x80xi32, #tpu.memory_space<hbm>> -> memref<25x80xi32, #tpu.memory_space<hbm>>
      tpu.wait_dma2 semaphore(%run_scoped3A_148 : memref<!tpu.dma_semaphore, #tpu.memory_space<semaphore_mem>>) src(%dma_wait3A_164 : memref<25x80xi32, #tpu.memory_space<hbm>>) dst(%arg7 : memref<25x80xi32, #tpu.memory_space<vmem>>)
      tpu.yield
    }) : () -> ()
    %mul3A_32 = arith.constant 5 : i32
    %mul3A_33 = arith.muli %add3A, %mul3A_32 : i32
    %add3A_34 = arith.constant 1 : i32
    %add3A_35 = arith.addi %mul3A_33, %add3A_34 : i32
    "tpu.region"() ({
      %run_scoped3A_148 = tpu.sem_alloc : memref<!tpu.dma_semaphore, #tpu.memory_space<semaphore_mem>>
      %dma_start3A_149 = arith.constant 0 : i32
      %dma_start3A_150 = arith.constant 0 : i32
      %dma_start3A_151 = tpu.memref_slice %arg4[%add3A_35, %dma_start3A_149, %dma_start3A_150] : memref<160x25x80xi32, #tpu.memory_space<hbm>> -> memref<1x25x80xi32, #tpu.memory_space<hbm>>
      %dma_start3A_152 = tpu.memref_squeeze %dma_start3A_151 : memref<1x25x80xi32, #tpu.memory_space<hbm>> -> memref<25x80xi32, #tpu.memory_space<hbm>>
      %dma_start3A_153 = arith.constant 0 : i32
      %dma_start3A_154 = arith.constant 0 : i32
      %dma_start3A_155 = tpu.memref_slice %arg4[%add3A_35, %dma_start3A_153, %dma_start3A_154] : memref<160x25x80xi32, #tpu.memory_space<hbm>> -> memref<1x25x80xi32, #tpu.memory_space<hbm>>
      %dma_start3A_156 = tpu.memref_squeeze %dma_start3A_155 : memref<1x25x80xi32, #tpu.memory_space<hbm>> -> memref<25x80xi32, #tpu.memory_space<hbm>>
      tpu.enqueue_dma source(%dma_start3A_156 : memref<25x80xi32, #tpu.memory_space<hbm>>) target(%arg8 : memref<25x80xi32, #tpu.memory_space<vmem>>) target_semaphore(%run_scoped3A_148 : memref<!tpu.dma_semaphore, #tpu.memory_space<semaphore_mem>>)
      %dma_wait3A_157 = arith.constant 0 : i32
      %dma_wait3A_158 = arith.constant 0 : i32
      %dma_wait3A_159 = tpu.memref_slice %arg4[%add3A_35, %dma_wait3A_157, %dma_wait3A_158] : memref<160x25x80xi32, #tpu.memory_space<hbm>> -> memref<1x25x80xi32, #tpu.memory_space<hbm>>
      %dma_wait3A_160 = tpu.memref_squeeze %dma_wait3A_159 : memref<1x25x80xi32, #tpu.memory_space<hbm>> -> memref<25x80xi32, #tpu.memory_space<hbm>>
      %dma_wait3A_161 = arith.constant 0 : i32
      %dma_wait3A_162 = arith.constant 0 : i32
      %dma_wait3A_163 = tpu.memref_slice %arg4[%add3A_35, %dma_wait3A_161, %dma_wait3A_162] : memref<160x25x80xi32, #tpu.memory_space<hbm>> -> memref<1x25x80xi32, #tpu.memory_space<hbm>>
      %dma_wait3A_164 = tpu.memref_squeeze %dma_wait3A_163 : memref<1x25x80xi32, #tpu.memory_space<hbm>> -> memref<25x80xi32, #tpu.memory_space<hbm>>
      tpu.wait_dma2 semaphore(%run_scoped3A_148 : memref<!tpu.dma_semaphore, #tpu.memory_space<semaphore_mem>>) src(%dma_wait3A_164 : memref<25x80xi32, #tpu.memory_space<hbm>>) dst(%arg8 : memref<25x80xi32, #tpu.memory_space<vmem>>)
      tpu.yield
    }) : () -> ()
    %dma_start3A_36 = arith.constant 0 : i32
    %dma_start3A_37 = arith.constant 0 : i32
    %dma_start3A_38 = tpu.memref_slice %arg7[%dma_start3A_36, %dma_start3A_37] : memref<25x80xi32, #tpu.memory_space<vmem>> -> memref<1x80xi32, #tpu.memory_space<vmem>>
    %dma_start3A_39 = tpu.memref_squeeze %dma_start3A_38 : memref<1x80xi32, #tpu.memory_space<vmem>> -> memref<80xi32, #tpu.memory_space<vmem>>
    %dma_start3A_40 = arith.constant 0 : i32
    %dma_start3A_41 = arith.constant 0 : i32
    %dma_start3A_42 = tpu.memref_slice %arg2[%dma_start3A_40, %dma_start3A_41] : memref<10000x136xf32, #tpu.memory_space<hbm>> -> memref<10000x136xf32, #tpu.memory_space<hbm>>
    tpu.enqueue_indirect_dma source(%dma_start3A_42 : memref<10000x136xf32, #tpu.memory_space<hbm>>) target(%arg9 : memref<80x136xf32, #tpu.memory_space<vmem>>) offsets(%dma_start3A_39 : memref<80xi32, #tpu.memory_space<vmem>>) semaphore(%arg12 : memref<!tpu.dma_semaphore, #tpu.memory_space<semaphore_mem>>)
    %scan3A_43 = arith.constant 0 : i32
    %scan3A_44 = arith.constant 0 : i32
    %scan3A_45 = arith.constant 12 : i32
    %scan3A_46 = arith.addi %scan3A_44, %scan3A_45 : i32
    %scan3A_47 = arith.constant 1 : i32
    scf.for %scan3A_148 = %scan3A_44 to %scan3A_46 step %scan3A_47  : i32 {
      %mul3A_149 = arith.constant 2 : i32
      %mul3A_150 = arith.muli %scan3A_148, %mul3A_149 : i32
      %add3A_151 = arith.constant 1 : i32
      %add3A_152 = arith.addi %mul3A_150, %add3A_151 : i32
      %dma_start3A_153 = arith.constant 0 : i32
      %dma_start3A_154 = tpu.memref_slice %arg7[%add3A_152, %dma_start3A_153] : memref<25x80xi32, #tpu.memory_space<vmem>> -> memref<1x80xi32, #tpu.memory_space<vmem>>
      %dma_start3A_155 = tpu.memref_squeeze %dma_start3A_154 : memref<1x80xi32, #tpu.memory_space<vmem>> -> memref<80xi32, #tpu.memory_space<vmem>>
      %dma_start3A_156 = arith.constant 0 : i32
      %dma_start3A_157 = arith.constant 0 : i32
      %dma_start3A_158 = tpu.memref_slice %arg2[%dma_start3A_156, %dma_start3A_157] : memref<10000x136xf32, #tpu.memory_space<hbm>> -> memref<10000x136xf32, #tpu.memory_space<hbm>>
      tpu.enqueue_indirect_dma source(%dma_start3A_158 : memref<10000x136xf32, #tpu.memory_space<hbm>>) target(%arg10 : memref<80x136xf32, #tpu.memory_space<vmem>>) offsets(%dma_start3A_155 : memref<80xi32, #tpu.memory_space<vmem>>) semaphore(%arg13 : memref<!tpu.dma_semaphore, #tpu.memory_space<semaphore_mem>>)
      %dma_wait3A_159 = arith.constant 0 : i32
      %dma_wait3A_160 = tpu.memref_slice %arg7[%mul3A_150, %dma_wait3A_159] : memref<25x80xi32, #tpu.memory_space<vmem>> -> memref<1x80xi32, #tpu.memory_space<vmem>>
      %dma_wait3A_161 = tpu.memref_squeeze %dma_wait3A_160 : memref<1x80xi32, #tpu.memory_space<vmem>> -> memref<80xi32, #tpu.memory_space<vmem>>
      %dma_wait3A_162 = arith.constant 0 : i32
      %dma_wait3A_163 = arith.constant 0 : i32
      %dma_wait3A_164 = tpu.memref_slice %arg2[%dma_wait3A_162, %dma_wait3A_163] : memref<10000x136xf32, #tpu.memory_space<hbm>> -> memref<10000x136xf32, #tpu.memory_space<hbm>>
      tpu.wait_indirect_dma semaphore(%arg12 : memref<!tpu.dma_semaphore, #tpu.memory_space<semaphore_mem>>) src(%dma_wait3A_164 : memref<10000x136xf32, #tpu.memory_space<hbm>>) dst(%arg9 : memref<80x136xf32, #tpu.memory_space<vmem>>)
      "tpu.region"() ({
        %run_scoped3A_179 = tpu.sem_alloc : memref<!tpu.dma_semaphore, #tpu.memory_space<semaphore_mem>>
        %dma_start3A_180 = arith.constant 0 : i32
        %dma_start3A_181 = tpu.memref_slice %arg8[%mul3A_150, %dma_start3A_180] : memref<25x80xi32, #tpu.memory_space<vmem>> -> memref<1x80xi32, #tpu.memory_space<vmem>>
        %dma_start3A_182 = tpu.memref_squeeze %dma_start3A_181 : memref<1x80xi32, #tpu.memory_space<vmem>> -> memref<80xi32, #tpu.memory_space<vmem>>
        %dma_start3A_183 = arith.constant 0 : i32
        %dma_start3A_184 = arith.constant 0 : i32
        %dma_start3A_185 = tpu.memref_slice %arg11[%dma_start3A_183, %dma_start3A_184] : memref<10112x136xf32, #tpu.memory_space<vmem_shared>> -> memref<10112x136xf32, #tpu.memory_space<vmem_shared>>
        tpu.enqueue_indirect_dma source(%arg9 : memref<80x136xf32, #tpu.memory_space<vmem>>) target(%dma_start3A_185 : memref<10112x136xf32, #tpu.memory_space<vmem_shared>>) offsets(%dma_start3A_182 : memref<80xi32, #tpu.memory_space<vmem>>) semaphore(%run_scoped3A_179 : memref<!tpu.dma_semaphore, #tpu.memory_space<semaphore_mem>>) {add = true}
        %dma_wait3A_186 = arith.constant 0 : i32
        %dma_wait3A_187 = tpu.memref_slice %arg8[%mul3A_150, %dma_wait3A_186] : memref<25x80xi32, #tpu.memory_space<vmem>> -> memref<1x80xi32, #tpu.memory_space<vmem>>
        %dma_wait3A_188 = tpu.memref_squeeze %dma_wait3A_187 : memref<1x80xi32, #tpu.memory_space<vmem>> -> memref<80xi32, #tpu.memory_space<vmem>>
        %dma_wait3A_189 = arith.constant 0 : i32
        %dma_wait3A_190 = arith.constant 0 : i32
        %dma_wait3A_191 = tpu.memref_slice %arg11[%dma_wait3A_189, %dma_wait3A_190] : memref<10112x136xf32, #tpu.memory_space<vmem_shared>> -> memref<10112x136xf32, #tpu.memory_space<vmem_shared>>
        tpu.wait_indirect_dma semaphore(%run_scoped3A_179 : memref<!tpu.dma_semaphore, #tpu.memory_space<semaphore_mem>>) src(%arg9 : memref<80x136xf32, #tpu.memory_space<vmem>>) dst(%dma_wait3A_191 : memref<10112x136xf32, #tpu.memory_space<vmem_shared>>)
        tpu.yield
      }) : () -> ()
      %add3A_165 = arith.constant 2 : i32
      %add3A_166 = arith.addi %mul3A_150, %add3A_165 : i32
      %dma_start3A_167 = arith.constant 0 : i32
      %dma_start3A_168 = tpu.memref_slice %arg7[%add3A_166, %dma_start3A_167] : memref<25x80xi32, #tpu.memory_space<vmem>> -> memref<1x80xi32, #tpu.memory_space<vmem>>
      %dma_start3A_169 = tpu.memref_squeeze %dma_start3A_168 : memref<1x80xi32, #tpu.memory_space<vmem>> -> memref<80xi32, #tpu.memory_space<vmem>>
      %dma_start3A_170 = arith.constant 0 : i32
      %dma_start3A_171 = arith.constant 0 : i32
      %dma_start3A_172 = tpu.memref_slice %arg2[%dma_start3A_170, %dma_start3A_171] : memref<10000x136xf32, #tpu.memory_space<hbm>> -> memref<10000x136xf32, #tpu.memory_space<hbm>>
      tpu.enqueue_indirect_dma source(%dma_start3A_172 : memref<10000x136xf32, #tpu.memory_space<hbm>>) target(%arg9 : memref<80x136xf32, #tpu.memory_space<vmem>>) offsets(%dma_start3A_169 : memref<80xi32, #tpu.memory_space<vmem>>) semaphore(%arg12 : memref<!tpu.dma_semaphore, #tpu.memory_space<semaphore_mem>>)
      %dma_wait3A_173 = arith.constant 0 : i32
      %dma_wait3A_174 = tpu.memref_slice %arg7[%add3A_152, %dma_wait3A_173] : memref<25x80xi32, #tpu.memory_space<vmem>> -> memref<1x80xi32, #tpu.memory_space<vmem>>
      %dma_wait3A_175 = tpu.memref_squeeze %dma_wait3A_174 : memref<1x80xi32, #tpu.memory_space<vmem>> -> memref<80xi32, #tpu.memory_space<vmem>>
      %dma_wait3A_176 = arith.constant 0 : i32
      %dma_wait3A_177 = arith.constant 0 : i32
      %dma_wait3A_178 = tpu.memref_slice %arg2[%dma_wait3A_176, %dma_wait3A_177] : memref<10000x136xf32, #tpu.memory_space<hbm>> -> memref<10000x136xf32, #tpu.memory_space<hbm>>
      tpu.wait_indirect_dma semaphore(%arg13 : memref<!tpu.dma_semaphore, #tpu.memory_space<semaphore_mem>>) src(%dma_wait3A_178 : memref<10000x136xf32, #tpu.memory_space<hbm>>) dst(%arg10 : memref<80x136xf32, #tpu.memory_space<vmem>>)
      "tpu.region"() ({
        %run_scoped3A_179 = tpu.sem_alloc : memref<!tpu.dma_semaphore, #tpu.memory_space<semaphore_mem>>
        %dma_start3A_180 = arith.constant 0 : i32
        %dma_start3A_181 = tpu.memref_slice %arg8[%add3A_152, %dma_start3A_180] : memref<25x80xi32, #tpu.memory_space<vmem>> -> memref<1x80xi32, #tpu.memory_space<vmem>>
        %dma_start3A_182 = tpu.memref_squeeze %dma_start3A_181 : memref<1x80xi32, #tpu.memory_space<vmem>> -> memref<80xi32, #tpu.memory_space<vmem>>
        %dma_start3A_183 = arith.constant 0 : i32
        %dma_start3A_184 = arith.constant 0 : i32
        %dma_start3A_185 = tpu.memref_slice %arg11[%dma_start3A_183, %dma_start3A_184] : memref<10112x136xf32, #tpu.memory_space<vmem_shared>> -> memref<10112x136xf32, #tpu.memory_space<vmem_shared>>
        tpu.enqueue_indirect_dma source(%arg10 : memref<80x136xf32, #tpu.memory_space<vmem>>) target(%dma_start3A_185 : memref<10112x136xf32, #tpu.memory_space<vmem_shared>>) offsets(%dma_start3A_182 : memref<80xi32, #tpu.memory_space<vmem>>) semaphore(%run_scoped3A_179 : memref<!tpu.dma_semaphore, #tpu.memory_space<semaphore_mem>>) {add = true}
        %dma_wait3A_186 = arith.constant 0 : i32
        %dma_wait3A_187 = tpu.memref_slice %arg8[%add3A_152, %dma_wait3A_186] : memref<25x80xi32, #tpu.memory_space<vmem>> -> memref<1x80xi32, #tpu.memory_space<vmem>>
        %dma_wait3A_188 = tpu.memref_squeeze %dma_wait3A_187 : memref<1x80xi32, #tpu.memory_space<vmem>> -> memref<80xi32, #tpu.memory_space<vmem>>
        %dma_wait3A_189 = arith.constant 0 : i32
        %dma_wait3A_190 = arith.constant 0 : i32
        %dma_wait3A_191 = tpu.memref_slice %arg11[%dma_wait3A_189, %dma_wait3A_190] : memref<10112x136xf32, #tpu.memory_space<vmem_shared>> -> memref<10112x136xf32, #tpu.memory_space<vmem_shared>>
        tpu.wait_indirect_dma semaphore(%run_scoped3A_179 : memref<!tpu.dma_semaphore, #tpu.memory_space<semaphore_mem>>) src(%arg10 : memref<80x136xf32, #tpu.memory_space<vmem>>) dst(%dma_wait3A_191 : memref<10112x136xf32, #tpu.memory_space<vmem_shared>>)
        tpu.yield
      }) : () -> ()
    }
    %scan3A_48 = arith.constant 12 : i32
    %dma_wait3A_49 = arith.constant 24 : i32
    %dma_wait3A_50 = arith.constant 0 : i32
    %dma_wait3A_51 = tpu.memref_slice %arg7[%dma_wait3A_49, %dma_wait3A_50] : memref<25x80xi32, #tpu.memory_space<vmem>> -> memref<1x80xi32, #tpu.memory_space<vmem>>
    %dma_wait3A_52 = tpu.memref_squeeze %dma_wait3A_51 : memref<1x80xi32, #tpu.memory_space<vmem>> -> memref<80xi32, #tpu.memory_space<vmem>>
    %dma_wait3A_53 = arith.constant 0 : i32
    %dma_wait3A_54 = arith.constant 0 : i32
    %dma_wait3A_55 = tpu.memref_slice %arg2[%dma_wait3A_53, %dma_wait3A_54] : memref<10000x136xf32, #tpu.memory_space<hbm>> -> memref<10000x136xf32, #tpu.memory_space<hbm>>
    tpu.wait_indirect_dma semaphore(%arg12 : memref<!tpu.dma_semaphore, #tpu.memory_space<semaphore_mem>>) src(%dma_wait3A_55 : memref<10000x136xf32, #tpu.memory_space<hbm>>) dst(%arg9 : memref<80x136xf32, #tpu.memory_space<vmem>>)
    %run_scoped3A_56 = arith.constant 24 : i32
    "tpu.region"() ({
      %run_scoped3A_148 = tpu.sem_alloc : memref<!tpu.dma_semaphore, #tpu.memory_space<semaphore_mem>>
      %dma_start3A_149 = arith.constant 0 : i32
      %dma_start3A_150 = tpu.memref_slice %arg8[%run_scoped3A_56, %dma_start3A_149] : memref<25x80xi32, #tpu.memory_space<vmem>> -> memref<1x80xi32, #tpu.memory_space<vmem>>
      %dma_start3A_151 = tpu.memref_squeeze %dma_start3A_150 : memref<1x80xi32, #tpu.memory_space<vmem>> -> memref<80xi32, #tpu.memory_space<vmem>>
      %dma_start3A_152 = arith.constant 0 : i32
      %dma_start3A_153 = arith.constant 0 : i32
      %dma_start3A_154 = tpu.memref_slice %arg11[%dma_start3A_152, %dma_start3A_153] : memref<10112x136xf32, #tpu.memory_space<vmem_shared>> -> memref<10112x136xf32, #tpu.memory_space<vmem_shared>>
      tpu.enqueue_indirect_dma source(%arg9 : memref<80x136xf32, #tpu.memory_space<vmem>>) target(%dma_start3A_154 : memref<10112x136xf32, #tpu.memory_space<vmem_shared>>) offsets(%dma_start3A_151 : memref<80xi32, #tpu.memory_space<vmem>>) semaphore(%run_scoped3A_148 : memref<!tpu.dma_semaphore, #tpu.memory_space<semaphore_mem>>) {add = true}
      %dma_wait3A_155 = arith.constant 0 : i32
      %dma_wait3A_156 = tpu.memref_slice %arg8[%run_scoped3A_56, %dma_wait3A_155] : memref<25x80xi32, #tpu.memory_space<vmem>> -> memref<1x80xi32, #tpu.memory_space<vmem>>
      %dma_wait3A_157 = tpu.memref_squeeze %dma_wait3A_156 : memref<1x80xi32, #tpu.memory_space<vmem>> -> memref<80xi32, #tpu.memory_space<vmem>>
      %dma_wait3A_158 = arith.constant 0 : i32
      %dma_wait3A_159 = arith.constant 0 : i32
      %dma_wait3A_160 = tpu.memref_slice %arg11[%dma_wait3A_158, %dma_wait3A_159] : memref<10112x136xf32, #tpu.memory_space<vmem_shared>> -> memref<10112x136xf32, #tpu.memory_space<vmem_shared>>
      tpu.wait_indirect_dma semaphore(%run_scoped3A_148 : memref<!tpu.dma_semaphore, #tpu.memory_space<semaphore_mem>>) src(%arg9 : memref<80x136xf32, #tpu.memory_space<vmem>>) dst(%dma_wait3A_160 : memref<10112x136xf32, #tpu.memory_space<vmem_shared>>)
      tpu.yield
    }) : () -> ()
    %mul3A_57 = arith.constant 5 : i32
    %mul3A_58 = arith.muli %add3A, %mul3A_57 : i32
    %add3A_59 = arith.constant 2 : i32
    %add3A_60 = arith.addi %mul3A_58, %add3A_59 : i32
    "tpu.region"() ({
      %run_scoped3A_148 = tpu.sem_alloc : memref<!tpu.dma_semaphore, #tpu.memory_space<semaphore_mem>>
      %dma_start3A_149 = arith.constant 0 : i32
      %dma_start3A_150 = arith.constant 0 : i32
      %dma_start3A_151 = tpu.memref_slice %arg3[%add3A_60, %dma_start3A_149, %dma_start3A_150] : memref<160x25x80xi32, #tpu.memory_space<hbm>> -> memref<1x25x80xi32, #tpu.memory_space<hbm>>
      %dma_start3A_152 = tpu.memref_squeeze %dma_start3A_151 : memref<1x25x80xi32, #tpu.memory_space<hbm>> -> memref<25x80xi32, #tpu.memory_space<hbm>>
      %dma_start3A_153 = arith.constant 0 : i32
      %dma_start3A_154 = arith.constant 0 : i32
      %dma_start3A_155 = tpu.memref_slice %arg3[%add3A_60, %dma_start3A_153, %dma_start3A_154] : memref<160x25x80xi32, #tpu.memory_space<hbm>> -> memref<1x25x80xi32, #tpu.memory_space<hbm>>
      %dma_start3A_156 = tpu.memref_squeeze %dma_start3A_155 : memref<1x25x80xi32, #tpu.memory_space<hbm>> -> memref<25x80xi32, #tpu.memory_space<hbm>>
      tpu.enqueue_dma source(%dma_start3A_156 : memref<25x80xi32, #tpu.memory_space<hbm>>) target(%arg7 : memref<25x80xi32, #tpu.memory_space<vmem>>) target_semaphore(%run_scoped3A_148 : memref<!tpu.dma_semaphore, #tpu.memory_space<semaphore_mem>>)
      %dma_wait3A_157 = arith.constant 0 : i32
      %dma_wait3A_158 = arith.constant 0 : i32
      %dma_wait3A_159 = tpu.memref_slice %arg3[%add3A_60, %dma_wait3A_157, %dma_wait3A_158] : memref<160x25x80xi32, #tpu.memory_space<hbm>> -> memref<1x25x80xi32, #tpu.memory_space<hbm>>
      %dma_wait3A_160 = tpu.memref_squeeze %dma_wait3A_159 : memref<1x25x80xi32, #tpu.memory_space<hbm>> -> memref<25x80xi32, #tpu.memory_space<hbm>>
      %dma_wait3A_161 = arith.constant 0 : i32
      %dma_wait3A_162 = arith.constant 0 : i32
      %dma_wait3A_163 = tpu.memref_slice %arg3[%add3A_60, %dma_wait3A_161, %dma_wait3A_162] : memref<160x25x80xi32, #tpu.memory_space<hbm>> -> memref<1x25x80xi32, #tpu.memory_space<hbm>>
      %dma_wait3A_164 = tpu.memref_squeeze %dma_wait3A_163 : memref<1x25x80xi32, #tpu.memory_space<hbm>> -> memref<25x80xi32, #tpu.memory_space<hbm>>
      tpu.wait_dma2 semaphore(%run_scoped3A_148 : memref<!tpu.dma_semaphore, #tpu.memory_space<semaphore_mem>>) src(%dma_wait3A_164 : memref<25x80xi32, #tpu.memory_space<hbm>>) dst(%arg7 : memref<25x80xi32, #tpu.memory_space<vmem>>)
      tpu.yield
    }) : () -> ()
    %mul3A_61 = arith.constant 5 : i32
    %mul3A_62 = arith.muli %add3A, %mul3A_61 : i32
    %add3A_63 = arith.constant 2 : i32
    %add3A_64 = arith.addi %mul3A_62, %add3A_63 : i32
    "tpu.region"() ({
      %run_scoped3A_148 = tpu.sem_alloc : memref<!tpu.dma_semaphore, #tpu.memory_space<semaphore_mem>>
      %dma_start3A_149 = arith.constant 0 : i32
      %dma_start3A_150 = arith.constant 0 : i32
      %dma_start3A_151 = tpu.memref_slice %arg4[%add3A_64, %dma_start3A_149, %dma_start3A_150] : memref<160x25x80xi32, #tpu.memory_space<hbm>> -> memref<1x25x80xi32, #tpu.memory_space<hbm>>
      %dma_start3A_152 = tpu.memref_squeeze %dma_start3A_151 : memref<1x25x80xi32, #tpu.memory_space<hbm>> -> memref<25x80xi32, #tpu.memory_space<hbm>>
      %dma_start3A_153 = arith.constant 0 : i32
      %dma_start3A_154 = arith.constant 0 : i32
      %dma_start3A_155 = tpu.memref_slice %arg4[%add3A_64, %dma_start3A_153, %dma_start3A_154] : memref<160x25x80xi32, #tpu.memory_space<hbm>> -> memref<1x25x80xi32, #tpu.memory_space<hbm>>
      %dma_start3A_156 = tpu.memref_squeeze %dma_start3A_155 : memref<1x25x80xi32, #tpu.memory_space<hbm>> -> memref<25x80xi32, #tpu.memory_space<hbm>>
      tpu.enqueue_dma source(%dma_start3A_156 : memref<25x80xi32, #tpu.memory_space<hbm>>) target(%arg8 : memref<25x80xi32, #tpu.memory_space<vmem>>) target_semaphore(%run_scoped3A_148 : memref<!tpu.dma_semaphore, #tpu.memory_space<semaphore_mem>>)
      %dma_wait3A_157 = arith.constant 0 : i32
      %dma_wait3A_158 = arith.constant 0 : i32
      %dma_wait3A_159 = tpu.memref_slice %arg4[%add3A_64, %dma_wait3A_157, %dma_wait3A_158] : memref<160x25x80xi32, #tpu.memory_space<hbm>> -> memref<1x25x80xi32, #tpu.memory_space<hbm>>
      %dma_wait3A_160 = tpu.memref_squeeze %dma_wait3A_159 : memref<1x25x80xi32, #tpu.memory_space<hbm>> -> memref<25x80xi32, #tpu.memory_space<hbm>>
      %dma_wait3A_161 = arith.constant 0 : i32
      %dma_wait3A_162 = arith.constant 0 : i32
      %dma_wait3A_163 = tpu.memref_slice %arg4[%add3A_64, %dma_wait3A_161, %dma_wait3A_162] : memref<160x25x80xi32, #tpu.memory_space<hbm>> -> memref<1x25x80xi32, #tpu.memory_space<hbm>>
      %dma_wait3A_164 = tpu.memref_squeeze %dma_wait3A_163 : memref<1x25x80xi32, #tpu.memory_space<hbm>> -> memref<25x80xi32, #tpu.memory_space<hbm>>
      tpu.wait_dma2 semaphore(%run_scoped3A_148 : memref<!tpu.dma_semaphore, #tpu.memory_space<semaphore_mem>>) src(%dma_wait3A_164 : memref<25x80xi32, #tpu.memory_space<hbm>>) dst(%arg8 : memref<25x80xi32, #tpu.memory_space<vmem>>)
      tpu.yield
    }) : () -> ()
    %dma_start3A_65 = arith.constant 0 : i32
    %dma_start3A_66 = arith.constant 0 : i32
    %dma_start3A_67 = tpu.memref_slice %arg7[%dma_start3A_65, %dma_start3A_66] : memref<25x80xi32, #tpu.memory_space<vmem>> -> memref<1x80xi32, #tpu.memory_space<vmem>>
    %dma_start3A_68 = tpu.memref_squeeze %dma_start3A_67 : memref<1x80xi32, #tpu.memory_space<vmem>> -> memref<80xi32, #tpu.memory_space<vmem>>
    %dma_start3A_69 = arith.constant 0 : i32
    %dma_start3A_70 = arith.constant 0 : i32
    %dma_start3A_71 = tpu.memref_slice %arg2[%dma_start3A_69, %dma_start3A_70] : memref<10000x136xf32, #tpu.memory_space<hbm>> -> memref<10000x136xf32, #tpu.memory_space<hbm>>
    tpu.enqueue_indirect_dma source(%dma_start3A_71 : memref<10000x136xf32, #tpu.memory_space<hbm>>) target(%arg9 : memref<80x136xf32, #tpu.memory_space<vmem>>) offsets(%dma_start3A_68 : memref<80xi32, #tpu.memory_space<vmem>>) semaphore(%arg12 : memref<!tpu.dma_semaphore, #tpu.memory_space<semaphore_mem>>)
    %scan3A_72 = arith.constant 0 : i32
    %scan3A_73 = arith.constant 0 : i32
    %scan3A_74 = arith.constant 12 : i32
    %scan3A_75 = arith.addi %scan3A_73, %scan3A_74 : i32
    %scan3A_76 = arith.constant 1 : i32
    scf.for %scan3A_148 = %scan3A_73 to %scan3A_75 step %scan3A_76  : i32 {
      %mul3A_149 = arith.constant 2 : i32
      %mul3A_150 = arith.muli %scan3A_148, %mul3A_149 : i32
      %add3A_151 = arith.constant 1 : i32
      %add3A_152 = arith.addi %mul3A_150, %add3A_151 : i32
      %dma_start3A_153 = arith.constant 0 : i32
      %dma_start3A_154 = tpu.memref_slice %arg7[%add3A_152, %dma_start3A_153] : memref<25x80xi32, #tpu.memory_space<vmem>> -> memref<1x80xi32, #tpu.memory_space<vmem>>
      %dma_start3A_155 = tpu.memref_squeeze %dma_start3A_154 : memref<1x80xi32, #tpu.memory_space<vmem>> -> memref<80xi32, #tpu.memory_space<vmem>>
      %dma_start3A_156 = arith.constant 0 : i32
      %dma_start3A_157 = arith.constant 0 : i32
      %dma_start3A_158 = tpu.memref_slice %arg2[%dma_start3A_156, %dma_start3A_157] : memref<10000x136xf32, #tpu.memory_space<hbm>> -> memref<10000x136xf32, #tpu.memory_space<hbm>>
      tpu.enqueue_indirect_dma source(%dma_start3A_158 : memref<10000x136xf32, #tpu.memory_space<hbm>>) target(%arg10 : memref<80x136xf32, #tpu.memory_space<vmem>>) offsets(%dma_start3A_155 : memref<80xi32, #tpu.memory_space<vmem>>) semaphore(%arg13 : memref<!tpu.dma_semaphore, #tpu.memory_space<semaphore_mem>>)
      %dma_wait3A_159 = arith.constant 0 : i32
      %dma_wait3A_160 = tpu.memref_slice %arg7[%mul3A_150, %dma_wait3A_159] : memref<25x80xi32, #tpu.memory_space<vmem>> -> memref<1x80xi32, #tpu.memory_space<vmem>>
      %dma_wait3A_161 = tpu.memref_squeeze %dma_wait3A_160 : memref<1x80xi32, #tpu.memory_space<vmem>> -> memref<80xi32, #tpu.memory_space<vmem>>
      %dma_wait3A_162 = arith.constant 0 : i32
      %dma_wait3A_163 = arith.constant 0 : i32
      %dma_wait3A_164 = tpu.memref_slice %arg2[%dma_wait3A_162, %dma_wait3A_163] : memref<10000x136xf32, #tpu.memory_space<hbm>> -> memref<10000x136xf32, #tpu.memory_space<hbm>>
      tpu.wait_indirect_dma semaphore(%arg12 : memref<!tpu.dma_semaphore, #tpu.memory_space<semaphore_mem>>) src(%dma_wait3A_164 : memref<10000x136xf32, #tpu.memory_space<hbm>>) dst(%arg9 : memref<80x136xf32, #tpu.memory_space<vmem>>)
      "tpu.region"() ({
        %run_scoped3A_179 = tpu.sem_alloc : memref<!tpu.dma_semaphore, #tpu.memory_space<semaphore_mem>>
        %dma_start3A_180 = arith.constant 0 : i32
        %dma_start3A_181 = tpu.memref_slice %arg8[%mul3A_150, %dma_start3A_180] : memref<25x80xi32, #tpu.memory_space<vmem>> -> memref<1x80xi32, #tpu.memory_space<vmem>>
        %dma_start3A_182 = tpu.memref_squeeze %dma_start3A_181 : memref<1x80xi32, #tpu.memory_space<vmem>> -> memref<80xi32, #tpu.memory_space<vmem>>
        %dma_start3A_183 = arith.constant 0 : i32
        %dma_start3A_184 = arith.constant 0 : i32
        %dma_start3A_185 = tpu.memref_slice %arg11[%dma_start3A_183, %dma_start3A_184] : memref<10112x136xf32, #tpu.memory_space<vmem_shared>> -> memref<10112x136xf32, #tpu.memory_space<vmem_shared>>
        tpu.enqueue_indirect_dma source(%arg9 : memref<80x136xf32, #tpu.memory_space<vmem>>) target(%dma_start3A_185 : memref<10112x136xf32, #tpu.memory_space<vmem_shared>>) offsets(%dma_start3A_182 : memref<80xi32, #tpu.memory_space<vmem>>) semaphore(%run_scoped3A_179 : memref<!tpu.dma_semaphore, #tpu.memory_space<semaphore_mem>>) {add = true}
        %dma_wait3A_186 = arith.constant 0 : i32
        %dma_wait3A_187 = tpu.memref_slice %arg8[%mul3A_150, %dma_wait3A_186] : memref<25x80xi32, #tpu.memory_space<vmem>> -> memref<1x80xi32, #tpu.memory_space<vmem>>
        %dma_wait3A_188 = tpu.memref_squeeze %dma_wait3A_187 : memref<1x80xi32, #tpu.memory_space<vmem>> -> memref<80xi32, #tpu.memory_space<vmem>>
        %dma_wait3A_189 = arith.constant 0 : i32
        %dma_wait3A_190 = arith.constant 0 : i32
        %dma_wait3A_191 = tpu.memref_slice %arg11[%dma_wait3A_189, %dma_wait3A_190] : memref<10112x136xf32, #tpu.memory_space<vmem_shared>> -> memref<10112x136xf32, #tpu.memory_space<vmem_shared>>
        tpu.wait_indirect_dma semaphore(%run_scoped3A_179 : memref<!tpu.dma_semaphore, #tpu.memory_space<semaphore_mem>>) src(%arg9 : memref<80x136xf32, #tpu.memory_space<vmem>>) dst(%dma_wait3A_191 : memref<10112x136xf32, #tpu.memory_space<vmem_shared>>)
        tpu.yield
      }) : () -> ()
      %add3A_165 = arith.constant 2 : i32
      %add3A_166 = arith.addi %mul3A_150, %add3A_165 : i32
      %dma_start3A_167 = arith.constant 0 : i32
      %dma_start3A_168 = tpu.memref_slice %arg7[%add3A_166, %dma_start3A_167] : memref<25x80xi32, #tpu.memory_space<vmem>> -> memref<1x80xi32, #tpu.memory_space<vmem>>
      %dma_start3A_169 = tpu.memref_squeeze %dma_start3A_168 : memref<1x80xi32, #tpu.memory_space<vmem>> -> memref<80xi32, #tpu.memory_space<vmem>>
      %dma_start3A_170 = arith.constant 0 : i32
      %dma_start3A_171 = arith.constant 0 : i32
      %dma_start3A_172 = tpu.memref_slice %arg2[%dma_start3A_170, %dma_start3A_171] : memref<10000x136xf32, #tpu.memory_space<hbm>> -> memref<10000x136xf32, #tpu.memory_space<hbm>>
      tpu.enqueue_indirect_dma source(%dma_start3A_172 : memref<10000x136xf32, #tpu.memory_space<hbm>>) target(%arg9 : memref<80x136xf32, #tpu.memory_space<vmem>>) offsets(%dma_start3A_169 : memref<80xi32, #tpu.memory_space<vmem>>) semaphore(%arg12 : memref<!tpu.dma_semaphore, #tpu.memory_space<semaphore_mem>>)
      %dma_wait3A_173 = arith.constant 0 : i32
      %dma_wait3A_174 = tpu.memref_slice %arg7[%add3A_152, %dma_wait3A_173] : memref<25x80xi32, #tpu.memory_space<vmem>> -> memref<1x80xi32, #tpu.memory_space<vmem>>
      %dma_wait3A_175 = tpu.memref_squeeze %dma_wait3A_174 : memref<1x80xi32, #tpu.memory_space<vmem>> -> memref<80xi32, #tpu.memory_space<vmem>>
      %dma_wait3A_176 = arith.constant 0 : i32
      %dma_wait3A_177 = arith.constant 0 : i32
      %dma_wait3A_178 = tpu.memref_slice %arg2[%dma_wait3A_176, %dma_wait3A_177] : memref<10000x136xf32, #tpu.memory_space<hbm>> -> memref<10000x136xf32, #tpu.memory_space<hbm>>
      tpu.wait_indirect_dma semaphore(%arg13 : memref<!tpu.dma_semaphore, #tpu.memory_space<semaphore_mem>>) src(%dma_wait3A_178 : memref<10000x136xf32, #tpu.memory_space<hbm>>) dst(%arg10 : memref<80x136xf32, #tpu.memory_space<vmem>>)
      "tpu.region"() ({
        %run_scoped3A_179 = tpu.sem_alloc : memref<!tpu.dma_semaphore, #tpu.memory_space<semaphore_mem>>
        %dma_start3A_180 = arith.constant 0 : i32
        %dma_start3A_181 = tpu.memref_slice %arg8[%add3A_152, %dma_start3A_180] : memref<25x80xi32, #tpu.memory_space<vmem>> -> memref<1x80xi32, #tpu.memory_space<vmem>>
        %dma_start3A_182 = tpu.memref_squeeze %dma_start3A_181 : memref<1x80xi32, #tpu.memory_space<vmem>> -> memref<80xi32, #tpu.memory_space<vmem>>
        %dma_start3A_183 = arith.constant 0 : i32
        %dma_start3A_184 = arith.constant 0 : i32
        %dma_start3A_185 = tpu.memref_slice %arg11[%dma_start3A_183, %dma_start3A_184] : memref<10112x136xf32, #tpu.memory_space<vmem_shared>> -> memref<10112x136xf32, #tpu.memory_space<vmem_shared>>
        tpu.enqueue_indirect_dma source(%arg10 : memref<80x136xf32, #tpu.memory_space<vmem>>) target(%dma_start3A_185 : memref<10112x136xf32, #tpu.memory_space<vmem_shared>>) offsets(%dma_start3A_182 : memref<80xi32, #tpu.memory_space<vmem>>) semaphore(%run_scoped3A_179 : memref<!tpu.dma_semaphore, #tpu.memory_space<semaphore_mem>>) {add = true}
        %dma_wait3A_186 = arith.constant 0 : i32
        %dma_wait3A_187 = tpu.memref_slice %arg8[%add3A_152, %dma_wait3A_186] : memref<25x80xi32, #tpu.memory_space<vmem>> -> memref<1x80xi32, #tpu.memory_space<vmem>>
        %dma_wait3A_188 = tpu.memref_squeeze %dma_wait3A_187 : memref<1x80xi32, #tpu.memory_space<vmem>> -> memref<80xi32, #tpu.memory_space<vmem>>
        %dma_wait3A_189 = arith.constant 0 : i32
        %dma_wait3A_190 = arith.constant 0 : i32
        %dma_wait3A_191 = tpu.memref_slice %arg11[%dma_wait3A_189, %dma_wait3A_190] : memref<10112x136xf32, #tpu.memory_space<vmem_shared>> -> memref<10112x136xf32, #tpu.memory_space<vmem_shared>>
        tpu.wait_indirect_dma semaphore(%run_scoped3A_179 : memref<!tpu.dma_semaphore, #tpu.memory_space<semaphore_mem>>) src(%arg10 : memref<80x136xf32, #tpu.memory_space<vmem>>) dst(%dma_wait3A_191 : memref<10112x136xf32, #tpu.memory_space<vmem_shared>>)
        tpu.yield
      }) : () -> ()
    }
    %scan3A_77 = arith.constant 12 : i32
    %dma_wait3A_78 = arith.constant 24 : i32
    %dma_wait3A_79 = arith.constant 0 : i32
    %dma_wait3A_80 = tpu.memref_slice %arg7[%dma_wait3A_78, %dma_wait3A_79] : memref<25x80xi32, #tpu.memory_space<vmem>> -> memref<1x80xi32, #tpu.memory_space<vmem>>
    %dma_wait3A_81 = tpu.memref_squeeze %dma_wait3A_80 : memref<1x80xi32, #tpu.memory_space<vmem>> -> memref<80xi32, #tpu.memory_space<vmem>>
    %dma_wait3A_82 = arith.constant 0 : i32
    %dma_wait3A_83 = arith.constant 0 : i32
    %dma_wait3A_84 = tpu.memref_slice %arg2[%dma_wait3A_82, %dma_wait3A_83] : memref<10000x136xf32, #tpu.memory_space<hbm>> -> memref<10000x136xf32, #tpu.memory_space<hbm>>
    tpu.wait_indirect_dma semaphore(%arg12 : memref<!tpu.dma_semaphore, #tpu.memory_space<semaphore_mem>>) src(%dma_wait3A_84 : memref<10000x136xf32, #tpu.memory_space<hbm>>) dst(%arg9 : memref<80x136xf32, #tpu.memory_space<vmem>>)
    %run_scoped3A_85 = arith.constant 24 : i32
    "tpu.region"() ({
      %run_scoped3A_148 = tpu.sem_alloc : memref<!tpu.dma_semaphore, #tpu.memory_space<semaphore_mem>>
      %dma_start3A_149 = arith.constant 0 : i32
      %dma_start3A_150 = tpu.memref_slice %arg8[%run_scoped3A_85, %dma_start3A_149] : memref<25x80xi32, #tpu.memory_space<vmem>> -> memref<1x80xi32, #tpu.memory_space<vmem>>
      %dma_start3A_151 = tpu.memref_squeeze %dma_start3A_150 : memref<1x80xi32, #tpu.memory_space<vmem>> -> memref<80xi32, #tpu.memory_space<vmem>>
      %dma_start3A_152 = arith.constant 0 : i32
      %dma_start3A_153 = arith.constant 0 : i32
      %dma_start3A_154 = tpu.memref_slice %arg11[%dma_start3A_152, %dma_start3A_153] : memref<10112x136xf32, #tpu.memory_space<vmem_shared>> -> memref<10112x136xf32, #tpu.memory_space<vmem_shared>>
      tpu.enqueue_indirect_dma source(%arg9 : memref<80x136xf32, #tpu.memory_space<vmem>>) target(%dma_start3A_154 : memref<10112x136xf32, #tpu.memory_space<vmem_shared>>) offsets(%dma_start3A_151 : memref<80xi32, #tpu.memory_space<vmem>>) semaphore(%run_scoped3A_148 : memref<!tpu.dma_semaphore, #tpu.memory_space<semaphore_mem>>) {add = true}
      %dma_wait3A_155 = arith.constant 0 : i32
      %dma_wait3A_156 = tpu.memref_slice %arg8[%run_scoped3A_85, %dma_wait3A_155] : memref<25x80xi32, #tpu.memory_space<vmem>> -> memref<1x80xi32, #tpu.memory_space<vmem>>
      %dma_wait3A_157 = tpu.memref_squeeze %dma_wait3A_156 : memref<1x80xi32, #tpu.memory_space<vmem>> -> memref<80xi32, #tpu.memory_space<vmem>>
      %dma_wait3A_158 = arith.constant 0 : i32
      %dma_wait3A_159 = arith.constant 0 : i32
      %dma_wait3A_160 = tpu.memref_slice %arg11[%dma_wait3A_158, %dma_wait3A_159] : memref<10112x136xf32, #tpu.memory_space<vmem_shared>> -> memref<10112x136xf32, #tpu.memory_space<vmem_shared>>
      tpu.wait_indirect_dma semaphore(%run_scoped3A_148 : memref<!tpu.dma_semaphore, #tpu.memory_space<semaphore_mem>>) src(%arg9 : memref<80x136xf32, #tpu.memory_space<vmem>>) dst(%dma_wait3A_160 : memref<10112x136xf32, #tpu.memory_space<vmem_shared>>)
      tpu.yield
    }) : () -> ()
    %mul3A_86 = arith.constant 5 : i32
    %mul3A_87 = arith.muli %add3A, %mul3A_86 : i32
    %add3A_88 = arith.constant 3 : i32
    %add3A_89 = arith.addi %mul3A_87, %add3A_88 : i32
    "tpu.region"() ({
      %run_scoped3A_148 = tpu.sem_alloc : memref<!tpu.dma_semaphore, #tpu.memory_space<semaphore_mem>>
      %dma_start3A_149 = arith.constant 0 : i32
      %dma_start3A_150 = arith.constant 0 : i32
      %dma_start3A_151 = tpu.memref_slice %arg3[%add3A_89, %dma_start3A_149, %dma_start3A_150] : memref<160x25x80xi32, #tpu.memory_space<hbm>> -> memref<1x25x80xi32, #tpu.memory_space<hbm>>
      %dma_start3A_152 = tpu.memref_squeeze %dma_start3A_151 : memref<1x25x80xi32, #tpu.memory_space<hbm>> -> memref<25x80xi32, #tpu.memory_space<hbm>>
      %dma_start3A_153 = arith.constant 0 : i32
      %dma_start3A_154 = arith.constant 0 : i32
      %dma_start3A_155 = tpu.memref_slice %arg3[%add3A_89, %dma_start3A_153, %dma_start3A_154] : memref<160x25x80xi32, #tpu.memory_space<hbm>> -> memref<1x25x80xi32, #tpu.memory_space<hbm>>
      %dma_start3A_156 = tpu.memref_squeeze %dma_start3A_155 : memref<1x25x80xi32, #tpu.memory_space<hbm>> -> memref<25x80xi32, #tpu.memory_space<hbm>>
      tpu.enqueue_dma source(%dma_start3A_156 : memref<25x80xi32, #tpu.memory_space<hbm>>) target(%arg7 : memref<25x80xi32, #tpu.memory_space<vmem>>) target_semaphore(%run_scoped3A_148 : memref<!tpu.dma_semaphore, #tpu.memory_space<semaphore_mem>>)
      %dma_wait3A_157 = arith.constant 0 : i32
      %dma_wait3A_158 = arith.constant 0 : i32
      %dma_wait3A_159 = tpu.memref_slice %arg3[%add3A_89, %dma_wait3A_157, %dma_wait3A_158] : memref<160x25x80xi32, #tpu.memory_space<hbm>> -> memref<1x25x80xi32, #tpu.memory_space<hbm>>
      %dma_wait3A_160 = tpu.memref_squeeze %dma_wait3A_159 : memref<1x25x80xi32, #tpu.memory_space<hbm>> -> memref<25x80xi32, #tpu.memory_space<hbm>>
      %dma_wait3A_161 = arith.constant 0 : i32
      %dma_wait3A_162 = arith.constant 0 : i32
      %dma_wait3A_163 = tpu.memref_slice %arg3[%add3A_89, %dma_wait3A_161, %dma_wait3A_162] : memref<160x25x80xi32, #tpu.memory_space<hbm>> -> memref<1x25x80xi32, #tpu.memory_space<hbm>>
      %dma_wait3A_164 = tpu.memref_squeeze %dma_wait3A_163 : memref<1x25x80xi32, #tpu.memory_space<hbm>> -> memref<25x80xi32, #tpu.memory_space<hbm>>
      tpu.wait_dma2 semaphore(%run_scoped3A_148 : memref<!tpu.dma_semaphore, #tpu.memory_space<semaphore_mem>>) src(%dma_wait3A_164 : memref<25x80xi32, #tpu.memory_space<hbm>>) dst(%arg7 : memref<25x80xi32, #tpu.memory_space<vmem>>)
      tpu.yield
    }) : () -> ()
    %mul3A_90 = arith.constant 5 : i32
    %mul3A_91 = arith.muli %add3A, %mul3A_90 : i32
    %add3A_92 = arith.constant 3 : i32
    %add3A_93 = arith.addi %mul3A_91, %add3A_92 : i32
    "tpu.region"() ({
      %run_scoped3A_148 = tpu.sem_alloc : memref<!tpu.dma_semaphore, #tpu.memory_space<semaphore_mem>>
      %dma_start3A_149 = arith.constant 0 : i32
      %dma_start3A_150 = arith.constant 0 : i32
      %dma_start3A_151 = tpu.memref_slice %arg4[%add3A_93, %dma_start3A_149, %dma_start3A_150] : memref<160x25x80xi32, #tpu.memory_space<hbm>> -> memref<1x25x80xi32, #tpu.memory_space<hbm>>
      %dma_start3A_152 = tpu.memref_squeeze %dma_start3A_151 : memref<1x25x80xi32, #tpu.memory_space<hbm>> -> memref<25x80xi32, #tpu.memory_space<hbm>>
      %dma_start3A_153 = arith.constant 0 : i32
      %dma_start3A_154 = arith.constant 0 : i32
      %dma_start3A_155 = tpu.memref_slice %arg4[%add3A_93, %dma_start3A_153, %dma_start3A_154] : memref<160x25x80xi32, #tpu.memory_space<hbm>> -> memref<1x25x80xi32, #tpu.memory_space<hbm>>
      %dma_start3A_156 = tpu.memref_squeeze %dma_start3A_155 : memref<1x25x80xi32, #tpu.memory_space<hbm>> -> memref<25x80xi32, #tpu.memory_space<hbm>>
      tpu.enqueue_dma source(%dma_start3A_156 : memref<25x80xi32, #tpu.memory_space<hbm>>) target(%arg8 : memref<25x80xi32, #tpu.memory_space<vmem>>) target_semaphore(%run_scoped3A_148 : memref<!tpu.dma_semaphore, #tpu.memory_space<semaphore_mem>>)
      %dma_wait3A_157 = arith.constant 0 : i32
      %dma_wait3A_158 = arith.constant 0 : i32
      %dma_wait3A_159 = tpu.memref_slice %arg4[%add3A_93, %dma_wait3A_157, %dma_wait3A_158] : memref<160x25x80xi32, #tpu.memory_space<hbm>> -> memref<1x25x80xi32, #tpu.memory_space<hbm>>
      %dma_wait3A_160 = tpu.memref_squeeze %dma_wait3A_159 : memref<1x25x80xi32, #tpu.memory_space<hbm>> -> memref<25x80xi32, #tpu.memory_space<hbm>>
      %dma_wait3A_161 = arith.constant 0 : i32
      %dma_wait3A_162 = arith.constant 0 : i32
      %dma_wait3A_163 = tpu.memref_slice %arg4[%add3A_93, %dma_wait3A_161, %dma_wait3A_162] : memref<160x25x80xi32, #tpu.memory_space<hbm>> -> memref<1x25x80xi32, #tpu.memory_space<hbm>>
      %dma_wait3A_164 = tpu.memref_squeeze %dma_wait3A_163 : memref<1x25x80xi32, #tpu.memory_space<hbm>> -> memref<25x80xi32, #tpu.memory_space<hbm>>
      tpu.wait_dma2 semaphore(%run_scoped3A_148 : memref<!tpu.dma_semaphore, #tpu.memory_space<semaphore_mem>>) src(%dma_wait3A_164 : memref<25x80xi32, #tpu.memory_space<hbm>>) dst(%arg8 : memref<25x80xi32, #tpu.memory_space<vmem>>)
      tpu.yield
    }) : () -> ()
    %dma_start3A_94 = arith.constant 0 : i32
    %dma_start3A_95 = arith.constant 0 : i32
    %dma_start3A_96 = tpu.memref_slice %arg7[%dma_start3A_94, %dma_start3A_95] : memref<25x80xi32, #tpu.memory_space<vmem>> -> memref<1x80xi32, #tpu.memory_space<vmem>>
    %dma_start3A_97 = tpu.memref_squeeze %dma_start3A_96 : memref<1x80xi32, #tpu.memory_space<vmem>> -> memref<80xi32, #tpu.memory_space<vmem>>
    %dma_start3A_98 = arith.constant 0 : i32
    %dma_start3A_99 = arith.constant 0 : i32
    %dma_start3A_100 = tpu.memref_slice %arg2[%dma_start3A_98, %dma_start3A_99] : memref<10000x136xf32, #tpu.memory_space<hbm>> -> memref<10000x136xf32, #tpu.memory_space<hbm>>
    tpu.enqueue_indirect_dma source(%dma_start3A_100 : memref<10000x136xf32, #tpu.memory_space<hbm>>) target(%arg9 : memref<80x136xf32, #tpu.memory_space<vmem>>) offsets(%dma_start3A_97 : memref<80xi32, #tpu.memory_space<vmem>>) semaphore(%arg12 : memref<!tpu.dma_semaphore, #tpu.memory_space<semaphore_mem>>)
    %scan3A_101 = arith.constant 0 : i32
    %scan3A_102 = arith.constant 0 : i32
    %scan3A_103 = arith.constant 12 : i32
    %scan3A_104 = arith.addi %scan3A_102, %scan3A_103 : i32
    %scan3A_105 = arith.constant 1 : i32
    scf.for %scan3A_148 = %scan3A_102 to %scan3A_104 step %scan3A_105  : i32 {
      %mul3A_149 = arith.constant 2 : i32
      %mul3A_150 = arith.muli %scan3A_148, %mul3A_149 : i32
      %add3A_151 = arith.constant 1 : i32
      %add3A_152 = arith.addi %mul3A_150, %add3A_151 : i32
      %dma_start3A_153 = arith.constant 0 : i32
      %dma_start3A_154 = tpu.memref_slice %arg7[%add3A_152, %dma_start3A_153] : memref<25x80xi32, #tpu.memory_space<vmem>> -> memref<1x80xi32, #tpu.memory_space<vmem>>
      %dma_start3A_155 = tpu.memref_squeeze %dma_start3A_154 : memref<1x80xi32, #tpu.memory_space<vmem>> -> memref<80xi32, #tpu.memory_space<vmem>>
      %dma_start3A_156 = arith.constant 0 : i32
      %dma_start3A_157 = arith.constant 0 : i32
      %dma_start3A_158 = tpu.memref_slice %arg2[%dma_start3A_156, %dma_start3A_157] : memref<10000x136xf32, #tpu.memory_space<hbm>> -> memref<10000x136xf32, #tpu.memory_space<hbm>>
      tpu.enqueue_indirect_dma source(%dma_start3A_158 : memref<10000x136xf32, #tpu.memory_space<hbm>>) target(%arg10 : memref<80x136xf32, #tpu.memory_space<vmem>>) offsets(%dma_start3A_155 : memref<80xi32, #tpu.memory_space<vmem>>) semaphore(%arg13 : memref<!tpu.dma_semaphore, #tpu.memory_space<semaphore_mem>>)
      %dma_wait3A_159 = arith.constant 0 : i32
      %dma_wait3A_160 = tpu.memref_slice %arg7[%mul3A_150, %dma_wait3A_159] : memref<25x80xi32, #tpu.memory_space<vmem>> -> memref<1x80xi32, #tpu.memory_space<vmem>>
      %dma_wait3A_161 = tpu.memref_squeeze %dma_wait3A_160 : memref<1x80xi32, #tpu.memory_space<vmem>> -> memref<80xi32, #tpu.memory_space<vmem>>
      %dma_wait3A_162 = arith.constant 0 : i32
      %dma_wait3A_163 = arith.constant 0 : i32
      %dma_wait3A_164 = tpu.memref_slice %arg2[%dma_wait3A_162, %dma_wait3A_163] : memref<10000x136xf32, #tpu.memory_space<hbm>> -> memref<10000x136xf32, #tpu.memory_space<hbm>>
      tpu.wait_indirect_dma semaphore(%arg12 : memref<!tpu.dma_semaphore, #tpu.memory_space<semaphore_mem>>) src(%dma_wait3A_164 : memref<10000x136xf32, #tpu.memory_space<hbm>>) dst(%arg9 : memref<80x136xf32, #tpu.memory_space<vmem>>)
      "tpu.region"() ({
        %run_scoped3A_179 = tpu.sem_alloc : memref<!tpu.dma_semaphore, #tpu.memory_space<semaphore_mem>>
        %dma_start3A_180 = arith.constant 0 : i32
        %dma_start3A_181 = tpu.memref_slice %arg8[%mul3A_150, %dma_start3A_180] : memref<25x80xi32, #tpu.memory_space<vmem>> -> memref<1x80xi32, #tpu.memory_space<vmem>>
        %dma_start3A_182 = tpu.memref_squeeze %dma_start3A_181 : memref<1x80xi32, #tpu.memory_space<vmem>> -> memref<80xi32, #tpu.memory_space<vmem>>
        %dma_start3A_183 = arith.constant 0 : i32
        %dma_start3A_184 = arith.constant 0 : i32
        %dma_start3A_185 = tpu.memref_slice %arg11[%dma_start3A_183, %dma_start3A_184] : memref<10112x136xf32, #tpu.memory_space<vmem_shared>> -> memref<10112x136xf32, #tpu.memory_space<vmem_shared>>
        tpu.enqueue_indirect_dma source(%arg9 : memref<80x136xf32, #tpu.memory_space<vmem>>) target(%dma_start3A_185 : memref<10112x136xf32, #tpu.memory_space<vmem_shared>>) offsets(%dma_start3A_182 : memref<80xi32, #tpu.memory_space<vmem>>) semaphore(%run_scoped3A_179 : memref<!tpu.dma_semaphore, #tpu.memory_space<semaphore_mem>>) {add = true}
        %dma_wait3A_186 = arith.constant 0 : i32
        %dma_wait3A_187 = tpu.memref_slice %arg8[%mul3A_150, %dma_wait3A_186] : memref<25x80xi32, #tpu.memory_space<vmem>> -> memref<1x80xi32, #tpu.memory_space<vmem>>
        %dma_wait3A_188 = tpu.memref_squeeze %dma_wait3A_187 : memref<1x80xi32, #tpu.memory_space<vmem>> -> memref<80xi32, #tpu.memory_space<vmem>>
        %dma_wait3A_189 = arith.constant 0 : i32
        %dma_wait3A_190 = arith.constant 0 : i32
        %dma_wait3A_191 = tpu.memref_slice %arg11[%dma_wait3A_189, %dma_wait3A_190] : memref<10112x136xf32, #tpu.memory_space<vmem_shared>> -> memref<10112x136xf32, #tpu.memory_space<vmem_shared>>
        tpu.wait_indirect_dma semaphore(%run_scoped3A_179 : memref<!tpu.dma_semaphore, #tpu.memory_space<semaphore_mem>>) src(%arg9 : memref<80x136xf32, #tpu.memory_space<vmem>>) dst(%dma_wait3A_191 : memref<10112x136xf32, #tpu.memory_space<vmem_shared>>)
        tpu.yield
      }) : () -> ()
      %add3A_165 = arith.constant 2 : i32
      %add3A_166 = arith.addi %mul3A_150, %add3A_165 : i32
      %dma_start3A_167 = arith.constant 0 : i32
      %dma_start3A_168 = tpu.memref_slice %arg7[%add3A_166, %dma_start3A_167] : memref<25x80xi32, #tpu.memory_space<vmem>> -> memref<1x80xi32, #tpu.memory_space<vmem>>
      %dma_start3A_169 = tpu.memref_squeeze %dma_start3A_168 : memref<1x80xi32, #tpu.memory_space<vmem>> -> memref<80xi32, #tpu.memory_space<vmem>>
      %dma_start3A_170 = arith.constant 0 : i32
      %dma_start3A_171 = arith.constant 0 : i32
      %dma_start3A_172 = tpu.memref_slice %arg2[%dma_start3A_170, %dma_start3A_171] : memref<10000x136xf32, #tpu.memory_space<hbm>> -> memref<10000x136xf32, #tpu.memory_space<hbm>>
      tpu.enqueue_indirect_dma source(%dma_start3A_172 : memref<10000x136xf32, #tpu.memory_space<hbm>>) target(%arg9 : memref<80x136xf32, #tpu.memory_space<vmem>>) offsets(%dma_start3A_169 : memref<80xi32, #tpu.memory_space<vmem>>) semaphore(%arg12 : memref<!tpu.dma_semaphore, #tpu.memory_space<semaphore_mem>>)
      %dma_wait3A_173 = arith.constant 0 : i32
      %dma_wait3A_174 = tpu.memref_slice %arg7[%add3A_152, %dma_wait3A_173] : memref<25x80xi32, #tpu.memory_space<vmem>> -> memref<1x80xi32, #tpu.memory_space<vmem>>
      %dma_wait3A_175 = tpu.memref_squeeze %dma_wait3A_174 : memref<1x80xi32, #tpu.memory_space<vmem>> -> memref<80xi32, #tpu.memory_space<vmem>>
      %dma_wait3A_176 = arith.constant 0 : i32
      %dma_wait3A_177 = arith.constant 0 : i32
      %dma_wait3A_178 = tpu.memref_slice %arg2[%dma_wait3A_176, %dma_wait3A_177] : memref<10000x136xf32, #tpu.memory_space<hbm>> -> memref<10000x136xf32, #tpu.memory_space<hbm>>
      tpu.wait_indirect_dma semaphore(%arg13 : memref<!tpu.dma_semaphore, #tpu.memory_space<semaphore_mem>>) src(%dma_wait3A_178 : memref<10000x136xf32, #tpu.memory_space<hbm>>) dst(%arg10 : memref<80x136xf32, #tpu.memory_space<vmem>>)
      "tpu.region"() ({
        %run_scoped3A_179 = tpu.sem_alloc : memref<!tpu.dma_semaphore, #tpu.memory_space<semaphore_mem>>
        %dma_start3A_180 = arith.constant 0 : i32
        %dma_start3A_181 = tpu.memref_slice %arg8[%add3A_152, %dma_start3A_180] : memref<25x80xi32, #tpu.memory_space<vmem>> -> memref<1x80xi32, #tpu.memory_space<vmem>>
        %dma_start3A_182 = tpu.memref_squeeze %dma_start3A_181 : memref<1x80xi32, #tpu.memory_space<vmem>> -> memref<80xi32, #tpu.memory_space<vmem>>
        %dma_start3A_183 = arith.constant 0 : i32
        %dma_start3A_184 = arith.constant 0 : i32
        %dma_start3A_185 = tpu.memref_slice %arg11[%dma_start3A_183, %dma_start3A_184] : memref<10112x136xf32, #tpu.memory_space<vmem_shared>> -> memref<10112x136xf32, #tpu.memory_space<vmem_shared>>
        tpu.enqueue_indirect_dma source(%arg10 : memref<80x136xf32, #tpu.memory_space<vmem>>) target(%dma_start3A_185 : memref<10112x136xf32, #tpu.memory_space<vmem_shared>>) offsets(%dma_start3A_182 : memref<80xi32, #tpu.memory_space<vmem>>) semaphore(%run_scoped3A_179 : memref<!tpu.dma_semaphore, #tpu.memory_space<semaphore_mem>>) {add = true}
        %dma_wait3A_186 = arith.constant 0 : i32
        %dma_wait3A_187 = tpu.memref_slice %arg8[%add3A_152, %dma_wait3A_186] : memref<25x80xi32, #tpu.memory_space<vmem>> -> memref<1x80xi32, #tpu.memory_space<vmem>>
        %dma_wait3A_188 = tpu.memref_squeeze %dma_wait3A_187 : memref<1x80xi32, #tpu.memory_space<vmem>> -> memref<80xi32, #tpu.memory_space<vmem>>
        %dma_wait3A_189 = arith.constant 0 : i32
        %dma_wait3A_190 = arith.constant 0 : i32
        %dma_wait3A_191 = tpu.memref_slice %arg11[%dma_wait3A_189, %dma_wait3A_190] : memref<10112x136xf32, #tpu.memory_space<vmem_shared>> -> memref<10112x136xf32, #tpu.memory_space<vmem_shared>>
        tpu.wait_indirect_dma semaphore(%run_scoped3A_179 : memref<!tpu.dma_semaphore, #tpu.memory_space<semaphore_mem>>) src(%arg10 : memref<80x136xf32, #tpu.memory_space<vmem>>) dst(%dma_wait3A_191 : memref<10112x136xf32, #tpu.memory_space<vmem_shared>>)
        tpu.yield
      }) : () -> ()
    }
    %scan3A_106 = arith.constant 12 : i32
    %dma_wait3A_107 = arith.constant 24 : i32
    %dma_wait3A_108 = arith.constant 0 : i32
    %dma_wait3A_109 = tpu.memref_slice %arg7[%dma_wait3A_107, %dma_wait3A_108] : memref<25x80xi32, #tpu.memory_space<vmem>> -> memref<1x80xi32, #tpu.memory_space<vmem>>
    %dma_wait3A_110 = tpu.memref_squeeze %dma_wait3A_109 : memref<1x80xi32, #tpu.memory_space<vmem>> -> memref<80xi32, #tpu.memory_space<vmem>>
    %dma_wait3A_111 = arith.constant 0 : i32
    %dma_wait3A_112 = arith.constant 0 : i32
    %dma_wait3A_113 = tpu.memref_slice %arg2[%dma_wait3A_111, %dma_wait3A_112] : memref<10000x136xf32, #tpu.memory_space<hbm>> -> memref<10000x136xf32, #tpu.memory_space<hbm>>
    tpu.wait_indirect_dma semaphore(%arg12 : memref<!tpu.dma_semaphore, #tpu.memory_space<semaphore_mem>>) src(%dma_wait3A_113 : memref<10000x136xf32, #tpu.memory_space<hbm>>) dst(%arg9 : memref<80x136xf32, #tpu.memory_space<vmem>>)
    %run_scoped3A_114 = arith.constant 24 : i32
    "tpu.region"() ({
      %run_scoped3A_148 = tpu.sem_alloc : memref<!tpu.dma_semaphore, #tpu.memory_space<semaphore_mem>>
      %dma_start3A_149 = arith.constant 0 : i32
      %dma_start3A_150 = tpu.memref_slice %arg8[%run_scoped3A_114, %dma_start3A_149] : memref<25x80xi32, #tpu.memory_space<vmem>> -> memref<1x80xi32, #tpu.memory_space<vmem>>
      %dma_start3A_151 = tpu.memref_squeeze %dma_start3A_150 : memref<1x80xi32, #tpu.memory_space<vmem>> -> memref<80xi32, #tpu.memory_space<vmem>>
      %dma_start3A_152 = arith.constant 0 : i32
      %dma_start3A_153 = arith.constant 0 : i32
      %dma_start3A_154 = tpu.memref_slice %arg11[%dma_start3A_152, %dma_start3A_153] : memref<10112x136xf32, #tpu.memory_space<vmem_shared>> -> memref<10112x136xf32, #tpu.memory_space<vmem_shared>>
      tpu.enqueue_indirect_dma source(%arg9 : memref<80x136xf32, #tpu.memory_space<vmem>>) target(%dma_start3A_154 : memref<10112x136xf32, #tpu.memory_space<vmem_shared>>) offsets(%dma_start3A_151 : memref<80xi32, #tpu.memory_space<vmem>>) semaphore(%run_scoped3A_148 : memref<!tpu.dma_semaphore, #tpu.memory_space<semaphore_mem>>) {add = true}
      %dma_wait3A_155 = arith.constant 0 : i32
      %dma_wait3A_156 = tpu.memref_slice %arg8[%run_scoped3A_114, %dma_wait3A_155] : memref<25x80xi32, #tpu.memory_space<vmem>> -> memref<1x80xi32, #tpu.memory_space<vmem>>
      %dma_wait3A_157 = tpu.memref_squeeze %dma_wait3A_156 : memref<1x80xi32, #tpu.memory_space<vmem>> -> memref<80xi32, #tpu.memory_space<vmem>>
      %dma_wait3A_158 = arith.constant 0 : i32
      %dma_wait3A_159 = arith.constant 0 : i32
      %dma_wait3A_160 = tpu.memref_slice %arg11[%dma_wait3A_158, %dma_wait3A_159] : memref<10112x136xf32, #tpu.memory_space<vmem_shared>> -> memref<10112x136xf32, #tpu.memory_space<vmem_shared>>
      tpu.wait_indirect_dma semaphore(%run_scoped3A_148 : memref<!tpu.dma_semaphore, #tpu.memory_space<semaphore_mem>>) src(%arg9 : memref<80x136xf32, #tpu.memory_space<vmem>>) dst(%dma_wait3A_160 : memref<10112x136xf32, #tpu.memory_space<vmem_shared>>)
      tpu.yield
    }) : () -> ()
    %mul3A_115 = arith.constant 5 : i32
    %mul3A_116 = arith.muli %add3A, %mul3A_115 : i32
    %add3A_117 = arith.constant 4 : i32
    %add3A_118 = arith.addi %mul3A_116, %add3A_117 : i32
    "tpu.region"() ({
      %run_scoped3A_148 = tpu.sem_alloc : memref<!tpu.dma_semaphore, #tpu.memory_space<semaphore_mem>>
      %dma_start3A_149 = arith.constant 0 : i32
      %dma_start3A_150 = arith.constant 0 : i32
      %dma_start3A_151 = tpu.memref_slice %arg3[%add3A_118, %dma_start3A_149, %dma_start3A_150] : memref<160x25x80xi32, #tpu.memory_space<hbm>> -> memref<1x25x80xi32, #tpu.memory_space<hbm>>
      %dma_start3A_152 = tpu.memref_squeeze %dma_start3A_151 : memref<1x25x80xi32, #tpu.memory_space<hbm>> -> memref<25x80xi32, #tpu.memory_space<hbm>>
      %dma_start3A_153 = arith.constant 0 : i32
      %dma_start3A_154 = arith.constant 0 : i32
      %dma_start3A_155 = tpu.memref_slice %arg3[%add3A_118, %dma_start3A_153, %dma_start3A_154] : memref<160x25x80xi32, #tpu.memory_space<hbm>> -> memref<1x25x80xi32, #tpu.memory_space<hbm>>
      %dma_start3A_156 = tpu.memref_squeeze %dma_start3A_155 : memref<1x25x80xi32, #tpu.memory_space<hbm>> -> memref<25x80xi32, #tpu.memory_space<hbm>>
      tpu.enqueue_dma source(%dma_start3A_156 : memref<25x80xi32, #tpu.memory_space<hbm>>) target(%arg7 : memref<25x80xi32, #tpu.memory_space<vmem>>) target_semaphore(%run_scoped3A_148 : memref<!tpu.dma_semaphore, #tpu.memory_space<semaphore_mem>>)
      %dma_wait3A_157 = arith.constant 0 : i32
      %dma_wait3A_158 = arith.constant 0 : i32
      %dma_wait3A_159 = tpu.memref_slice %arg3[%add3A_118, %dma_wait3A_157, %dma_wait3A_158] : memref<160x25x80xi32, #tpu.memory_space<hbm>> -> memref<1x25x80xi32, #tpu.memory_space<hbm>>
      %dma_wait3A_160 = tpu.memref_squeeze %dma_wait3A_159 : memref<1x25x80xi32, #tpu.memory_space<hbm>> -> memref<25x80xi32, #tpu.memory_space<hbm>>
      %dma_wait3A_161 = arith.constant 0 : i32
      %dma_wait3A_162 = arith.constant 0 : i32
      %dma_wait3A_163 = tpu.memref_slice %arg3[%add3A_118, %dma_wait3A_161, %dma_wait3A_162] : memref<160x25x80xi32, #tpu.memory_space<hbm>> -> memref<1x25x80xi32, #tpu.memory_space<hbm>>
      %dma_wait3A_164 = tpu.memref_squeeze %dma_wait3A_163 : memref<1x25x80xi32, #tpu.memory_space<hbm>> -> memref<25x80xi32, #tpu.memory_space<hbm>>
      tpu.wait_dma2 semaphore(%run_scoped3A_148 : memref<!tpu.dma_semaphore, #tpu.memory_space<semaphore_mem>>) src(%dma_wait3A_164 : memref<25x80xi32, #tpu.memory_space<hbm>>) dst(%arg7 : memref<25x80xi32, #tpu.memory_space<vmem>>)
      tpu.yield
    }) : () -> ()
    %mul3A_119 = arith.constant 5 : i32
    %mul3A_120 = arith.muli %add3A, %mul3A_119 : i32
    %add3A_121 = arith.constant 4 : i32
    %add3A_122 = arith.addi %mul3A_120, %add3A_121 : i32
    "tpu.region"() ({
      %run_scoped3A_148 = tpu.sem_alloc : memref<!tpu.dma_semaphore, #tpu.memory_space<semaphore_mem>>
      %dma_start3A_149 = arith.constant 0 : i32
      %dma_start3A_150 = arith.constant 0 : i32
      %dma_start3A_151 = tpu.memref_slice %arg4[%add3A_122, %dma_start3A_149, %dma_start3A_150] : memref<160x25x80xi32, #tpu.memory_space<hbm>> -> memref<1x25x80xi32, #tpu.memory_space<hbm>>
      %dma_start3A_152 = tpu.memref_squeeze %dma_start3A_151 : memref<1x25x80xi32, #tpu.memory_space<hbm>> -> memref<25x80xi32, #tpu.memory_space<hbm>>
      %dma_start3A_153 = arith.constant 0 : i32
      %dma_start3A_154 = arith.constant 0 : i32
      %dma_start3A_155 = tpu.memref_slice %arg4[%add3A_122, %dma_start3A_153, %dma_start3A_154] : memref<160x25x80xi32, #tpu.memory_space<hbm>> -> memref<1x25x80xi32, #tpu.memory_space<hbm>>
      %dma_start3A_156 = tpu.memref_squeeze %dma_start3A_155 : memref<1x25x80xi32, #tpu.memory_space<hbm>> -> memref<25x80xi32, #tpu.memory_space<hbm>>
      tpu.enqueue_dma source(%dma_start3A_156 : memref<25x80xi32, #tpu.memory_space<hbm>>) target(%arg8 : memref<25x80xi32, #tpu.memory_space<vmem>>) target_semaphore(%run_scoped3A_148 : memref<!tpu.dma_semaphore, #tpu.memory_space<semaphore_mem>>)
      %dma_wait3A_157 = arith.constant 0 : i32
      %dma_wait3A_158 = arith.constant 0 : i32
      %dma_wait3A_159 = tpu.memref_slice %arg4[%add3A_122, %dma_wait3A_157, %dma_wait3A_158] : memref<160x25x80xi32, #tpu.memory_space<hbm>> -> memref<1x25x80xi32, #tpu.memory_space<hbm>>
      %dma_wait3A_160 = tpu.memref_squeeze %dma_wait3A_159 : memref<1x25x80xi32, #tpu.memory_space<hbm>> -> memref<25x80xi32, #tpu.memory_space<hbm>>
      %dma_wait3A_161 = arith.constant 0 : i32
      %dma_wait3A_162 = arith.constant 0 : i32
      %dma_wait3A_163 = tpu.memref_slice %arg4[%add3A_122, %dma_wait3A_161, %dma_wait3A_162] : memref<160x25x80xi32, #tpu.memory_space<hbm>> -> memref<1x25x80xi32, #tpu.memory_space<hbm>>
      %dma_wait3A_164 = tpu.memref_squeeze %dma_wait3A_163 : memref<1x25x80xi32, #tpu.memory_space<hbm>> -> memref<25x80xi32, #tpu.memory_space<hbm>>
      tpu.wait_dma2 semaphore(%run_scoped3A_148 : memref<!tpu.dma_semaphore, #tpu.memory_space<semaphore_mem>>) src(%dma_wait3A_164 : memref<25x80xi32, #tpu.memory_space<hbm>>) dst(%arg8 : memref<25x80xi32, #tpu.memory_space<vmem>>)
      tpu.yield
    }) : () -> ()
    %dma_start3A_123 = arith.constant 0 : i32
    %dma_start3A_124 = arith.constant 0 : i32
    %dma_start3A_125 = tpu.memref_slice %arg7[%dma_start3A_123, %dma_start3A_124] : memref<25x80xi32, #tpu.memory_space<vmem>> -> memref<1x80xi32, #tpu.memory_space<vmem>>
    %dma_start3A_126 = tpu.memref_squeeze %dma_start3A_125 : memref<1x80xi32, #tpu.memory_space<vmem>> -> memref<80xi32, #tpu.memory_space<vmem>>
    %dma_start3A_127 = arith.constant 0 : i32
    %dma_start3A_128 = arith.constant 0 : i32
    %dma_start3A_129 = tpu.memref_slice %arg2[%dma_start3A_127, %dma_start3A_128] : memref<10000x136xf32, #tpu.memory_space<hbm>> -> memref<10000x136xf32, #tpu.memory_space<hbm>>
    tpu.enqueue_indirect_dma source(%dma_start3A_129 : memref<10000x136xf32, #tpu.memory_space<hbm>>) target(%arg9 : memref<80x136xf32, #tpu.memory_space<vmem>>) offsets(%dma_start3A_126 : memref<80xi32, #tpu.memory_space<vmem>>) semaphore(%arg12 : memref<!tpu.dma_semaphore, #tpu.memory_space<semaphore_mem>>)
    %scan3A_130 = arith.constant 0 : i32
    %scan3A_131 = arith.constant 0 : i32
    %scan3A_132 = arith.constant 12 : i32
    %scan3A_133 = arith.addi %scan3A_131, %scan3A_132 : i32
    %scan3A_134 = arith.constant 1 : i32
    scf.for %scan3A_148 = %scan3A_131 to %scan3A_133 step %scan3A_134  : i32 {
      %mul3A_149 = arith.constant 2 : i32
      %mul3A_150 = arith.muli %scan3A_148, %mul3A_149 : i32
      %add3A_151 = arith.constant 1 : i32
      %add3A_152 = arith.addi %mul3A_150, %add3A_151 : i32
      %dma_start3A_153 = arith.constant 0 : i32
      %dma_start3A_154 = tpu.memref_slice %arg7[%add3A_152, %dma_start3A_153] : memref<25x80xi32, #tpu.memory_space<vmem>> -> memref<1x80xi32, #tpu.memory_space<vmem>>
      %dma_start3A_155 = tpu.memref_squeeze %dma_start3A_154 : memref<1x80xi32, #tpu.memory_space<vmem>> -> memref<80xi32, #tpu.memory_space<vmem>>
      %dma_start3A_156 = arith.constant 0 : i32
      %dma_start3A_157 = arith.constant 0 : i32
      %dma_start3A_158 = tpu.memref_slice %arg2[%dma_start3A_156, %dma_start3A_157] : memref<10000x136xf32, #tpu.memory_space<hbm>> -> memref<10000x136xf32, #tpu.memory_space<hbm>>
      tpu.enqueue_indirect_dma source(%dma_start3A_158 : memref<10000x136xf32, #tpu.memory_space<hbm>>) target(%arg10 : memref<80x136xf32, #tpu.memory_space<vmem>>) offsets(%dma_start3A_155 : memref<80xi32, #tpu.memory_space<vmem>>) semaphore(%arg13 : memref<!tpu.dma_semaphore, #tpu.memory_space<semaphore_mem>>)
      %dma_wait3A_159 = arith.constant 0 : i32
      %dma_wait3A_160 = tpu.memref_slice %arg7[%mul3A_150, %dma_wait3A_159] : memref<25x80xi32, #tpu.memory_space<vmem>> -> memref<1x80xi32, #tpu.memory_space<vmem>>
      %dma_wait3A_161 = tpu.memref_squeeze %dma_wait3A_160 : memref<1x80xi32, #tpu.memory_space<vmem>> -> memref<80xi32, #tpu.memory_space<vmem>>
      %dma_wait3A_162 = arith.constant 0 : i32
      %dma_wait3A_163 = arith.constant 0 : i32
      %dma_wait3A_164 = tpu.memref_slice %arg2[%dma_wait3A_162, %dma_wait3A_163] : memref<10000x136xf32, #tpu.memory_space<hbm>> -> memref<10000x136xf32, #tpu.memory_space<hbm>>
      tpu.wait_indirect_dma semaphore(%arg12 : memref<!tpu.dma_semaphore, #tpu.memory_space<semaphore_mem>>) src(%dma_wait3A_164 : memref<10000x136xf32, #tpu.memory_space<hbm>>) dst(%arg9 : memref<80x136xf32, #tpu.memory_space<vmem>>)
      "tpu.region"() ({
        %run_scoped3A_179 = tpu.sem_alloc : memref<!tpu.dma_semaphore, #tpu.memory_space<semaphore_mem>>
        %dma_start3A_180 = arith.constant 0 : i32
        %dma_start3A_181 = tpu.memref_slice %arg8[%mul3A_150, %dma_start3A_180] : memref<25x80xi32, #tpu.memory_space<vmem>> -> memref<1x80xi32, #tpu.memory_space<vmem>>
        %dma_start3A_182 = tpu.memref_squeeze %dma_start3A_181 : memref<1x80xi32, #tpu.memory_space<vmem>> -> memref<80xi32, #tpu.memory_space<vmem>>
        %dma_start3A_183 = arith.constant 0 : i32
        %dma_start3A_184 = arith.constant 0 : i32
        %dma_start3A_185 = tpu.memref_slice %arg11[%dma_start3A_183, %dma_start3A_184] : memref<10112x136xf32, #tpu.memory_space<vmem_shared>> -> memref<10112x136xf32, #tpu.memory_space<vmem_shared>>
        tpu.enqueue_indirect_dma source(%arg9 : memref<80x136xf32, #tpu.memory_space<vmem>>) target(%dma_start3A_185 : memref<10112x136xf32, #tpu.memory_space<vmem_shared>>) offsets(%dma_start3A_182 : memref<80xi32, #tpu.memory_space<vmem>>) semaphore(%run_scoped3A_179 : memref<!tpu.dma_semaphore, #tpu.memory_space<semaphore_mem>>) {add = true}
        %dma_wait3A_186 = arith.constant 0 : i32
        %dma_wait3A_187 = tpu.memref_slice %arg8[%mul3A_150, %dma_wait3A_186] : memref<25x80xi32, #tpu.memory_space<vmem>> -> memref<1x80xi32, #tpu.memory_space<vmem>>
        %dma_wait3A_188 = tpu.memref_squeeze %dma_wait3A_187 : memref<1x80xi32, #tpu.memory_space<vmem>> -> memref<80xi32, #tpu.memory_space<vmem>>
        %dma_wait3A_189 = arith.constant 0 : i32
        %dma_wait3A_190 = arith.constant 0 : i32
        %dma_wait3A_191 = tpu.memref_slice %arg11[%dma_wait3A_189, %dma_wait3A_190] : memref<10112x136xf32, #tpu.memory_space<vmem_shared>> -> memref<10112x136xf32, #tpu.memory_space<vmem_shared>>
        tpu.wait_indirect_dma semaphore(%run_scoped3A_179 : memref<!tpu.dma_semaphore, #tpu.memory_space<semaphore_mem>>) src(%arg9 : memref<80x136xf32, #tpu.memory_space<vmem>>) dst(%dma_wait3A_191 : memref<10112x136xf32, #tpu.memory_space<vmem_shared>>)
        tpu.yield
      }) : () -> ()
      %add3A_165 = arith.constant 2 : i32
      %add3A_166 = arith.addi %mul3A_150, %add3A_165 : i32
      %dma_start3A_167 = arith.constant 0 : i32
      %dma_start3A_168 = tpu.memref_slice %arg7[%add3A_166, %dma_start3A_167] : memref<25x80xi32, #tpu.memory_space<vmem>> -> memref<1x80xi32, #tpu.memory_space<vmem>>
      %dma_start3A_169 = tpu.memref_squeeze %dma_start3A_168 : memref<1x80xi32, #tpu.memory_space<vmem>> -> memref<80xi32, #tpu.memory_space<vmem>>
      %dma_start3A_170 = arith.constant 0 : i32
      %dma_start3A_171 = arith.constant 0 : i32
      %dma_start3A_172 = tpu.memref_slice %arg2[%dma_start3A_170, %dma_start3A_171] : memref<10000x136xf32, #tpu.memory_space<hbm>> -> memref<10000x136xf32, #tpu.memory_space<hbm>>
      tpu.enqueue_indirect_dma source(%dma_start3A_172 : memref<10000x136xf32, #tpu.memory_space<hbm>>) target(%arg9 : memref<80x136xf32, #tpu.memory_space<vmem>>) offsets(%dma_start3A_169 : memref<80xi32, #tpu.memory_space<vmem>>) semaphore(%arg12 : memref<!tpu.dma_semaphore, #tpu.memory_space<semaphore_mem>>)
      %dma_wait3A_173 = arith.constant 0 : i32
      %dma_wait3A_174 = tpu.memref_slice %arg7[%add3A_152, %dma_wait3A_173] : memref<25x80xi32, #tpu.memory_space<vmem>> -> memref<1x80xi32, #tpu.memory_space<vmem>>
      %dma_wait3A_175 = tpu.memref_squeeze %dma_wait3A_174 : memref<1x80xi32, #tpu.memory_space<vmem>> -> memref<80xi32, #tpu.memory_space<vmem>>
      %dma_wait3A_176 = arith.constant 0 : i32
      %dma_wait3A_177 = arith.constant 0 : i32
      %dma_wait3A_178 = tpu.memref_slice %arg2[%dma_wait3A_176, %dma_wait3A_177] : memref<10000x136xf32, #tpu.memory_space<hbm>> -> memref<10000x136xf32, #tpu.memory_space<hbm>>
      tpu.wait_indirect_dma semaphore(%arg13 : memref<!tpu.dma_semaphore, #tpu.memory_space<semaphore_mem>>) src(%dma_wait3A_178 : memref<10000x136xf32, #tpu.memory_space<hbm>>) dst(%arg10 : memref<80x136xf32, #tpu.memory_space<vmem>>)
      "tpu.region"() ({
        %run_scoped3A_179 = tpu.sem_alloc : memref<!tpu.dma_semaphore, #tpu.memory_space<semaphore_mem>>
        %dma_start3A_180 = arith.constant 0 : i32
        %dma_start3A_181 = tpu.memref_slice %arg8[%add3A_152, %dma_start3A_180] : memref<25x80xi32, #tpu.memory_space<vmem>> -> memref<1x80xi32, #tpu.memory_space<vmem>>
        %dma_start3A_182 = tpu.memref_squeeze %dma_start3A_181 : memref<1x80xi32, #tpu.memory_space<vmem>> -> memref<80xi32, #tpu.memory_space<vmem>>
        %dma_start3A_183 = arith.constant 0 : i32
        %dma_start3A_184 = arith.constant 0 : i32
        %dma_start3A_185 = tpu.memref_slice %arg11[%dma_start3A_183, %dma_start3A_184] : memref<10112x136xf32, #tpu.memory_space<vmem_shared>> -> memref<10112x136xf32, #tpu.memory_space<vmem_shared>>
        tpu.enqueue_indirect_dma source(%arg10 : memref<80x136xf32, #tpu.memory_space<vmem>>) target(%dma_start3A_185 : memref<10112x136xf32, #tpu.memory_space<vmem_shared>>) offsets(%dma_start3A_182 : memref<80xi32, #tpu.memory_space<vmem>>) semaphore(%run_scoped3A_179 : memref<!tpu.dma_semaphore, #tpu.memory_space<semaphore_mem>>) {add = true}
        %dma_wait3A_186 = arith.constant 0 : i32
        %dma_wait3A_187 = tpu.memref_slice %arg8[%add3A_152, %dma_wait3A_186] : memref<25x80xi32, #tpu.memory_space<vmem>> -> memref<1x80xi32, #tpu.memory_space<vmem>>
        %dma_wait3A_188 = tpu.memref_squeeze %dma_wait3A_187 : memref<1x80xi32, #tpu.memory_space<vmem>> -> memref<80xi32, #tpu.memory_space<vmem>>
        %dma_wait3A_189 = arith.constant 0 : i32
        %dma_wait3A_190 = arith.constant 0 : i32
        %dma_wait3A_191 = tpu.memref_slice %arg11[%dma_wait3A_189, %dma_wait3A_190] : memref<10112x136xf32, #tpu.memory_space<vmem_shared>> -> memref<10112x136xf32, #tpu.memory_space<vmem_shared>>
        tpu.wait_indirect_dma semaphore(%run_scoped3A_179 : memref<!tpu.dma_semaphore, #tpu.memory_space<semaphore_mem>>) src(%arg10 : memref<80x136xf32, #tpu.memory_space<vmem>>) dst(%dma_wait3A_191 : memref<10112x136xf32, #tpu.memory_space<vmem_shared>>)
        tpu.yield
      }) : () -> ()
    }
    %scan3A_135 = arith.constant 12 : i32
    %dma_wait3A_136 = arith.constant 24 : i32
    %dma_wait3A_137 = arith.constant 0 : i32
    %dma_wait3A_138 = tpu.memref_slice %arg7[%dma_wait3A_136, %dma_wait3A_137] : memref<25x80xi32, #tpu.memory_space<vmem>> -> memref<1x80xi32, #tpu.memory_space<vmem>>
    %dma_wait3A_139 = tpu.memref_squeeze %dma_wait3A_138 : memref<1x80xi32, #tpu.memory_space<vmem>> -> memref<80xi32, #tpu.memory_space<vmem>>
    %dma_wait3A_140 = arith.constant 0 : i32
    %dma_wait3A_141 = arith.constant 0 : i32
    %dma_wait3A_142 = tpu.memref_slice %arg2[%dma_wait3A_140, %dma_wait3A_141] : memref<10000x136xf32, #tpu.memory_space<hbm>> -> memref<10000x136xf32, #tpu.memory_space<hbm>>
    tpu.wait_indirect_dma semaphore(%arg12 : memref<!tpu.dma_semaphore, #tpu.memory_space<semaphore_mem>>) src(%dma_wait3A_142 : memref<10000x136xf32, #tpu.memory_space<hbm>>) dst(%arg9 : memref<80x136xf32, #tpu.memory_space<vmem>>)
    %run_scoped3A_143 = arith.constant 24 : i32
    "tpu.region"() ({
      %run_scoped3A_148 = tpu.sem_alloc : memref<!tpu.dma_semaphore, #tpu.memory_space<semaphore_mem>>
      %dma_start3A_149 = arith.constant 0 : i32
      %dma_start3A_150 = tpu.memref_slice %arg8[%run_scoped3A_143, %dma_start3A_149] : memref<25x80xi32, #tpu.memory_space<vmem>> -> memref<1x80xi32, #tpu.memory_space<vmem>>
      %dma_start3A_151 = tpu.memref_squeeze %dma_start3A_150 : memref<1x80xi32, #tpu.memory_space<vmem>> -> memref<80xi32, #tpu.memory_space<vmem>>
      %dma_start3A_152 = arith.constant 0 : i32
      %dma_start3A_153 = arith.constant 0 : i32
      %dma_start3A_154 = tpu.memref_slice %arg11[%dma_start3A_152, %dma_start3A_153] : memref<10112x136xf32, #tpu.memory_space<vmem_shared>> -> memref<10112x136xf32, #tpu.memory_space<vmem_shared>>
      tpu.enqueue_indirect_dma source(%arg9 : memref<80x136xf32, #tpu.memory_space<vmem>>) target(%dma_start3A_154 : memref<10112x136xf32, #tpu.memory_space<vmem_shared>>) offsets(%dma_start3A_151 : memref<80xi32, #tpu.memory_space<vmem>>) semaphore(%run_scoped3A_148 : memref<!tpu.dma_semaphore, #tpu.memory_space<semaphore_mem>>) {add = true}
      %dma_wait3A_155 = arith.constant 0 : i32
      %dma_wait3A_156 = tpu.memref_slice %arg8[%run_scoped3A_143, %dma_wait3A_155] : memref<25x80xi32, #tpu.memory_space<vmem>> -> memref<1x80xi32, #tpu.memory_space<vmem>>
      %dma_wait3A_157 = tpu.memref_squeeze %dma_wait3A_156 : memref<1x80xi32, #tpu.memory_space<vmem>> -> memref<80xi32, #tpu.memory_space<vmem>>
      %dma_wait3A_158 = arith.constant 0 : i32
      %dma_wait3A_159 = arith.constant 0 : i32
      %dma_wait3A_160 = tpu.memref_slice %arg11[%dma_wait3A_158, %dma_wait3A_159] : memref<10112x136xf32, #tpu.memory_space<vmem_shared>> -> memref<10112x136xf32, #tpu.memory_space<vmem_shared>>
      tpu.wait_indirect_dma semaphore(%run_scoped3A_148 : memref<!tpu.dma_semaphore, #tpu.memory_space<semaphore_mem>>) src(%arg9 : memref<80x136xf32, #tpu.memory_space<vmem>>) dst(%dma_wait3A_160 : memref<10112x136xf32, #tpu.memory_space<vmem_shared>>)
      tpu.yield
    }) : () -> ()
    %barrier3A_144 = arith.constant 0 : index
    tpu.barrier barrier_id(%barrier3A_144)
    %mul3A_145 = arith.constant 10112 : i32
    %mul3A_146 = arith.muli %arg0, %mul3A_145 : i32
    %add3A_147 = arith.addi %mul3A_146, %mul3A_2 : i32
    "tpu.region"() ({
      %run_scoped3A_148 = tpu.sem_alloc : memref<!tpu.dma_semaphore, #tpu.memory_space<semaphore_mem>>
      %dma_start3A_149 = arith.constant 0 : i32
      %dma_start3A_150 = tpu.memref_slice %arg6[%add3A_147, %dma_start3A_149] : memref<20224x136xf32, #tpu.memory_space<hbm>> -> memref<632x136xf32, #tpu.memory_space<hbm>>
      %dma_start3A_151 = arith.constant 0 : i32
      %dma_start3A_152 = tpu.memref_slice %arg11[%mul3A_2, %dma_start3A_151] : memref<10112x136xf32, #tpu.memory_space<vmem_shared>> -> memref<632x136xf32, #tpu.memory_space<vmem_shared>>
      tpu.enqueue_dma source(%dma_start3A_152 : memref<632x136xf32, #tpu.memory_space<vmem_shared>>) target(%dma_start3A_150 : memref<632x136xf32, #tpu.memory_space<hbm>>) target_semaphore(%run_scoped3A_148 : memref<!tpu.dma_semaphore, #tpu.memory_space<semaphore_mem>>)
      %dma_wait3A_153 = arith.constant 0 : i32
      %dma_wait3A_154 = tpu.memref_slice %arg6[%add3A_147, %dma_wait3A_153] : memref<20224x136xf32, #tpu.memory_space<hbm>> -> memref<632x136xf32, #tpu.memory_space<hbm>>
      %dma_wait3A_155 = arith.constant 0 : i32
      %dma_wait3A_156 = tpu.memref_slice %arg11[%mul3A_2, %dma_wait3A_155] : memref<10112x136xf32, #tpu.memory_space<vmem_shared>> -> memref<632x136xf32, #tpu.memory_space<vmem_shared>>
      tpu.wait_dma2 semaphore(%run_scoped3A_148 : memref<!tpu.dma_semaphore, #tpu.memory_space<semaphore_mem>>) src(%dma_wait3A_156 : memref<632x136xf32, #tpu.memory_space<vmem_shared>>) dst(%dma_wait3A_154 : memref<632x136xf32, #tpu.memory_space<hbm>>)
      tpu.yield
    }) : () -> ()
    return
  }
}

module attributes {stable_mosaic.version = 14 : i64} {
  func.func @_tc_body(%arg0: i32, %arg1: memref<2x1000x136xf32, #tpu.memory_space<vmem>>, %arg2: memref<1000x128xf32, #tpu.memory_space<vmem>>, %arg3: memref<128x352xf32, #tpu.memory_space<vmem>>, %arg4: memref<128x352xf32, #tpu.memory_space<vmem>>, %arg5: memref<352xf32, #tpu.memory_space<vmem>>, %arg6: memref<32x32xf32, #tpu.memory_space<vmem>>, %arg7: memref<32xf32, #tpu.memory_space<vmem>>, %arg8: memref<32x32xf32, #tpu.memory_space<vmem>>, %arg9: memref<32xf32, #tpu.memory_space<vmem>>, %arg10: memref<1000x32xf32, #tpu.memory_space<vmem>>, %arg11: memref<1000x32xf32, #tpu.memory_space<vmem>>) attributes {dimension_semantics = [#tpu.dimension_semantics<arbitrary>], iteration_bounds = array<i64: 10>, scalar_prefetch = 0 : i64, scratch_operands = 0 : i64, tpu.core_type = #tpu.core_type<tc>, window_params = [{transform_indices = @transform_0, window_bounds = array<i64: 2, 1000, 136>}, {transform_indices = @transform_1, window_bounds = array<i64: 1000, 128>}, {pipeline_mode = #tpu.pipeline_mode<synchronous>, transform_indices = @transform_2, window_bounds = array<i64: 128, 352>}, {pipeline_mode = #tpu.pipeline_mode<synchronous>, transform_indices = @transform_3, window_bounds = array<i64: 128, 352>}, {pipeline_mode = #tpu.pipeline_mode<synchronous>, transform_indices = @transform_4, window_bounds = array<i64: 352>}, {pipeline_mode = #tpu.pipeline_mode<synchronous>, transform_indices = @transform_5, window_bounds = array<i64: 32, 32>}, {pipeline_mode = #tpu.pipeline_mode<synchronous>, transform_indices = @transform_6, window_bounds = array<i64: 32>}, {pipeline_mode = #tpu.pipeline_mode<synchronous>, transform_indices = @transform_7, window_bounds = array<i64: 32, 32>}, {pipeline_mode = #tpu.pipeline_mode<synchronous>, transform_indices = @transform_8, window_bounds = array<i64: 32>}, {transform_indices = @transform_9, window_bounds = array<i64: 1000, 32>}, {transform_indices = @transform_10, window_bounds = array<i64: 1000, 32>}]} {
    %get3A = arith.constant 0 : index
    %get3A_0 = arith.constant 0 : index
    %get3A_1 = arith.constant 0 : index
    %get3A_2 = vector.load %arg1[%get3A, %get3A_0, %get3A_1] : memref<2x1000x136xf32, #tpu.memory_space<vmem>>, vector<1x1000x136xf32>
    %get3A_3 = vector.shape_cast %get3A_2 : vector<1x1000x136xf32> to vector<1000x136xf32>
    %get3A_4 = arith.constant 1 : index
    %get3A_5 = arith.constant 0 : index
    %get3A_6 = arith.constant 0 : index
    %get3A_7 = vector.load %arg1[%get3A_4, %get3A_5, %get3A_6] : memref<2x1000x136xf32, #tpu.memory_space<vmem>>, vector<1x1000x136xf32>
    %get3A_8 = vector.shape_cast %get3A_7 : vector<1x1000x136xf32> to vector<1000x136xf32>
    %add3A = arith.addf %get3A_3, %get3A_8 : vector<1000x136xf32>
    %slice3A = vector.extract_strided_slice %add3A {offsets = [0, 0], sizes = [1000, 128], strides = [1, 1]} : vector<1000x136xf32> to vector<1000x128xf32>
    %slice3A_9 = vector.extract_strided_slice %add3A {offsets = [0, 128], sizes = [1000, 1], strides = [1, 1]} : vector<1000x136xf32> to vector<1000x1xf32>
    %min3A = arith.constant 1.000000e+01 : f32
    %min3A_10 = vector.broadcast %min3A : f32 to vector<1000x1xf32>
    %min3A_11 = arith.minimumf %slice3A_9, %min3A_10 : vector<1000x1xf32>
    %get3A_12 = arith.constant 0 : index
    %get3A_13 = arith.constant 0 : index
    %get3A_14 = vector.load %arg2[%get3A_12, %get3A_13] : memref<1000x128xf32, #tpu.memory_space<vmem>>, vector<1000x128xf32>
    %get3A_15 = arith.constant 0 : index
    %get3A_16 = arith.constant 0 : index
    %get3A_17 = vector.load %arg3[%get3A_15, %get3A_16] : memref<128x352xf32, #tpu.memory_space<vmem>>, vector<128x352xf32>
    %dot_general3A = arith.constant dense<0.000000e+00> : vector<1000x352xf32>
    %dot_general3A_18 = tpu.matmul %slice3A, %get3A_17, %dot_general3A {dimension_numbers = #tpu.dot_dimension_numbers<[1], [0], [0], [1], [0, 0, 1, 1], [], []>, transpose_lhs_hint = false} : vector<1000x128xf32>, vector<128x352xf32>, vector<1000x352xf32> -> vector<1000x352xf32>
    %get3A_19 = arith.constant 0 : index
    %get3A_20 = arith.constant 0 : index
    %get3A_21 = vector.load %arg4[%get3A_19, %get3A_20] : memref<128x352xf32, #tpu.memory_space<vmem>>, vector<128x352xf32>
    %dot_general3A_22 = arith.constant dense<0.000000e+00> : vector<1000x352xf32>
    %dot_general3A_23 = tpu.matmul %get3A_14, %get3A_21, %dot_general3A_22 {dimension_numbers = #tpu.dot_dimension_numbers<[1], [0], [0], [1], [0, 0, 1, 1], [], []>, transpose_lhs_hint = false} : vector<1000x128xf32>, vector<128x352xf32>, vector<1000x352xf32> -> vector<1000x352xf32>
    %add3A_24 = arith.addf %dot_general3A_18, %dot_general3A_23 : vector<1000x352xf32>
    %get3A_25 = arith.constant 0 : index
    %get3A_26 = vector.load %arg5[%get3A_25] : memref<352xf32, #tpu.memory_space<vmem>>, vector<352xf32>
    %broadcast_in_dim3A = vector.shape_cast %get3A_26 : vector<352xf32> to vector<1x352xf32>
    %add3A_27 = vector.broadcast %broadcast_in_dim3A : vector<1x352xf32> to vector<1000x352xf32>
    %add3A_28 = arith.addf %add3A_24, %add3A_27 : vector<1000x352xf32>
    %broadcast_in_dim3A_29 = arith.constant 0.000000e+00 : f32
    %broadcast_in_dim3A_30 = vector.broadcast %broadcast_in_dim3A_29 : f32 to vector<1000x32xf32>
    %eq3A = arith.constant 0.000000e+00 : f32
    %eq3A_31 = vector.broadcast %eq3A : f32 to vector<1000x1xf32>
    %eq3A_32 = arith.cmpf oeq, %min3A_11, %eq3A_31 : vector<1000x1xf32>
    %slice3A_33 = vector.extract_strided_slice %add3A_28 {offsets = [0, 0], sizes = [1000, 32], strides = [1, 1]} : vector<1000x352xf32> to vector<1000x32xf32>
    %broadcast_in_dim3A_34 = vector.shape_cast %eq3A_32 : vector<1000x1xi1> to vector<1000x1xi1>
    %broadcast_in_dim3A_35 = vector.broadcast %broadcast_in_dim3A_34 : vector<1000x1xi1> to vector<1000x32xi1>
    %select_n3A = arith.select %broadcast_in_dim3A_35, %slice3A_33, %broadcast_in_dim3A_30 : vector<1000x32xi1>, vector<1000x32xf32>
    %eq3A_36 = arith.constant 1.000000e+00 : f32
    %eq3A_37 = vector.broadcast %eq3A_36 : f32 to vector<1000x1xf32>
    %eq3A_38 = arith.cmpf oeq, %min3A_11, %eq3A_37 : vector<1000x1xf32>
    %slice3A_39 = vector.extract_strided_slice %add3A_28 {offsets = [0, 32], sizes = [1000, 32], strides = [1, 1]} : vector<1000x352xf32> to vector<1000x32xf32>
    %broadcast_in_dim3A_40 = vector.shape_cast %eq3A_38 : vector<1000x1xi1> to vector<1000x1xi1>
    %broadcast_in_dim3A_41 = vector.broadcast %broadcast_in_dim3A_40 : vector<1000x1xi1> to vector<1000x32xi1>
    %select_n3A_42 = arith.select %broadcast_in_dim3A_41, %slice3A_39, %select_n3A : vector<1000x32xi1>, vector<1000x32xf32>
    %eq3A_43 = arith.constant 2.000000e+00 : f32
    %eq3A_44 = vector.broadcast %eq3A_43 : f32 to vector<1000x1xf32>
    %eq3A_45 = arith.cmpf oeq, %min3A_11, %eq3A_44 : vector<1000x1xf32>
    %slice3A_46 = vector.extract_strided_slice %add3A_28 {offsets = [0, 64], sizes = [1000, 32], strides = [1, 1]} : vector<1000x352xf32> to vector<1000x32xf32>
    %broadcast_in_dim3A_47 = vector.shape_cast %eq3A_45 : vector<1000x1xi1> to vector<1000x1xi1>
    %broadcast_in_dim3A_48 = vector.broadcast %broadcast_in_dim3A_47 : vector<1000x1xi1> to vector<1000x32xi1>
    %select_n3A_49 = arith.select %broadcast_in_dim3A_48, %slice3A_46, %select_n3A_42 : vector<1000x32xi1>, vector<1000x32xf32>
    %eq3A_50 = arith.constant 3.000000e+00 : f32
    %eq3A_51 = vector.broadcast %eq3A_50 : f32 to vector<1000x1xf32>
    %eq3A_52 = arith.cmpf oeq, %min3A_11, %eq3A_51 : vector<1000x1xf32>
    %slice3A_53 = vector.extract_strided_slice %add3A_28 {offsets = [0, 96], sizes = [1000, 32], strides = [1, 1]} : vector<1000x352xf32> to vector<1000x32xf32>
    %broadcast_in_dim3A_54 = vector.shape_cast %eq3A_52 : vector<1000x1xi1> to vector<1000x1xi1>
    %broadcast_in_dim3A_55 = vector.broadcast %broadcast_in_dim3A_54 : vector<1000x1xi1> to vector<1000x32xi1>
    %select_n3A_56 = arith.select %broadcast_in_dim3A_55, %slice3A_53, %select_n3A_49 : vector<1000x32xi1>, vector<1000x32xf32>
    %eq3A_57 = arith.constant 4.000000e+00 : f32
    %eq3A_58 = vector.broadcast %eq3A_57 : f32 to vector<1000x1xf32>
    %eq3A_59 = arith.cmpf oeq, %min3A_11, %eq3A_58 : vector<1000x1xf32>
    %slice3A_60 = vector.extract_strided_slice %add3A_28 {offsets = [0, 128], sizes = [1000, 32], strides = [1, 1]} : vector<1000x352xf32> to vector<1000x32xf32>
    %broadcast_in_dim3A_61 = vector.shape_cast %eq3A_59 : vector<1000x1xi1> to vector<1000x1xi1>
    %broadcast_in_dim3A_62 = vector.broadcast %broadcast_in_dim3A_61 : vector<1000x1xi1> to vector<1000x32xi1>
    %select_n3A_63 = arith.select %broadcast_in_dim3A_62, %slice3A_60, %select_n3A_56 : vector<1000x32xi1>, vector<1000x32xf32>
    %eq3A_64 = arith.constant 5.000000e+00 : f32
    %eq3A_65 = vector.broadcast %eq3A_64 : f32 to vector<1000x1xf32>
    %eq3A_66 = arith.cmpf oeq, %min3A_11, %eq3A_65 : vector<1000x1xf32>
    %slice3A_67 = vector.extract_strided_slice %add3A_28 {offsets = [0, 160], sizes = [1000, 32], strides = [1, 1]} : vector<1000x352xf32> to vector<1000x32xf32>
    %broadcast_in_dim3A_68 = vector.shape_cast %eq3A_66 : vector<1000x1xi1> to vector<1000x1xi1>
    %broadcast_in_dim3A_69 = vector.broadcast %broadcast_in_dim3A_68 : vector<1000x1xi1> to vector<1000x32xi1>
    %select_n3A_70 = arith.select %broadcast_in_dim3A_69, %slice3A_67, %select_n3A_63 : vector<1000x32xi1>, vector<1000x32xf32>
    %eq3A_71 = arith.constant 6.000000e+00 : f32
    %eq3A_72 = vector.broadcast %eq3A_71 : f32 to vector<1000x1xf32>
    %eq3A_73 = arith.cmpf oeq, %min3A_11, %eq3A_72 : vector<1000x1xf32>
    %slice3A_74 = vector.extract_strided_slice %add3A_28 {offsets = [0, 192], sizes = [1000, 32], strides = [1, 1]} : vector<1000x352xf32> to vector<1000x32xf32>
    %broadcast_in_dim3A_75 = vector.shape_cast %eq3A_73 : vector<1000x1xi1> to vector<1000x1xi1>
    %broadcast_in_dim3A_76 = vector.broadcast %broadcast_in_dim3A_75 : vector<1000x1xi1> to vector<1000x32xi1>
    %select_n3A_77 = arith.select %broadcast_in_dim3A_76, %slice3A_74, %select_n3A_70 : vector<1000x32xi1>, vector<1000x32xf32>
    %eq3A_78 = arith.constant 7.000000e+00 : f32
    %eq3A_79 = vector.broadcast %eq3A_78 : f32 to vector<1000x1xf32>
    %eq3A_80 = arith.cmpf oeq, %min3A_11, %eq3A_79 : vector<1000x1xf32>
    %slice3A_81 = vector.extract_strided_slice %add3A_28 {offsets = [0, 224], sizes = [1000, 32], strides = [1, 1]} : vector<1000x352xf32> to vector<1000x32xf32>
    %broadcast_in_dim3A_82 = vector.shape_cast %eq3A_80 : vector<1000x1xi1> to vector<1000x1xi1>
    %broadcast_in_dim3A_83 = vector.broadcast %broadcast_in_dim3A_82 : vector<1000x1xi1> to vector<1000x32xi1>
    %select_n3A_84 = arith.select %broadcast_in_dim3A_83, %slice3A_81, %select_n3A_77 : vector<1000x32xi1>, vector<1000x32xf32>
    %eq3A_85 = arith.constant 8.000000e+00 : f32
    %eq3A_86 = vector.broadcast %eq3A_85 : f32 to vector<1000x1xf32>
    %eq3A_87 = arith.cmpf oeq, %min3A_11, %eq3A_86 : vector<1000x1xf32>
    %slice3A_88 = vector.extract_strided_slice %add3A_28 {offsets = [0, 256], sizes = [1000, 32], strides = [1, 1]} : vector<1000x352xf32> to vector<1000x32xf32>
    %broadcast_in_dim3A_89 = vector.shape_cast %eq3A_87 : vector<1000x1xi1> to vector<1000x1xi1>
    %broadcast_in_dim3A_90 = vector.broadcast %broadcast_in_dim3A_89 : vector<1000x1xi1> to vector<1000x32xi1>
    %select_n3A_91 = arith.select %broadcast_in_dim3A_90, %slice3A_88, %select_n3A_84 : vector<1000x32xi1>, vector<1000x32xf32>
    %eq3A_92 = arith.constant 9.000000e+00 : f32
    %eq3A_93 = vector.broadcast %eq3A_92 : f32 to vector<1000x1xf32>
    %eq3A_94 = arith.cmpf oeq, %min3A_11, %eq3A_93 : vector<1000x1xf32>
    %slice3A_95 = vector.extract_strided_slice %add3A_28 {offsets = [0, 288], sizes = [1000, 32], strides = [1, 1]} : vector<1000x352xf32> to vector<1000x32xf32>
    %broadcast_in_dim3A_96 = vector.shape_cast %eq3A_94 : vector<1000x1xi1> to vector<1000x1xi1>
    %broadcast_in_dim3A_97 = vector.broadcast %broadcast_in_dim3A_96 : vector<1000x1xi1> to vector<1000x32xi1>
    %select_n3A_98 = arith.select %broadcast_in_dim3A_97, %slice3A_95, %select_n3A_91 : vector<1000x32xi1>, vector<1000x32xf32>
    %eq3A_99 = arith.constant 1.000000e+01 : f32
    %eq3A_100 = vector.broadcast %eq3A_99 : f32 to vector<1000x1xf32>
    %eq3A_101 = arith.cmpf oeq, %min3A_11, %eq3A_100 : vector<1000x1xf32>
    %slice3A_102 = vector.extract_strided_slice %add3A_28 {offsets = [0, 320], sizes = [1000, 32], strides = [1, 1]} : vector<1000x352xf32> to vector<1000x32xf32>
    %broadcast_in_dim3A_103 = vector.shape_cast %eq3A_101 : vector<1000x1xi1> to vector<1000x1xi1>
    %broadcast_in_dim3A_104 = vector.broadcast %broadcast_in_dim3A_103 : vector<1000x1xi1> to vector<1000x32xi1>
    %select_n3A_105 = arith.select %broadcast_in_dim3A_104, %slice3A_102, %select_n3A_98 : vector<1000x32xi1>, vector<1000x32xf32>
    %swap3A = arith.constant 0 : index
    %swap3A_106 = arith.constant 0 : index
    %swap3A_107 = vector.load %arg10[%swap3A, %swap3A_106] : memref<1000x32xf32, #tpu.memory_space<vmem>>, vector<1000x32xf32>
    tpu.vector_store %arg10[%swap3A, %swap3A_106], %select_n3A_105 {strides = array<i32>} : memref<1000x32xf32, #tpu.memory_space<vmem>>, vector<1000x32xf32>,
    %max3A = arith.constant 0.000000e+00 : f32
    %max3A_108 = vector.broadcast %max3A : f32 to vector<1000x32xf32>
    %max3A_109 = arith.maximumf %select_n3A_105, %max3A_108 : vector<1000x32xf32>
    %get3A_110 = arith.constant 0 : index
    %get3A_111 = arith.constant 0 : index
    %get3A_112 = vector.load %arg6[%get3A_110, %get3A_111] : memref<32x32xf32, #tpu.memory_space<vmem>>, vector<32x32xf32>
    %dot_general3A_113 = arith.constant dense<0.000000e+00> : vector<1000x32xf32>
    %dot_general3A_114 = tpu.matmul %max3A_109, %get3A_112, %dot_general3A_113 {dimension_numbers = #tpu.dot_dimension_numbers<[1], [0], [0], [1], [0, 0, 1, 1], [], []>, transpose_lhs_hint = false} : vector<1000x32xf32>, vector<32x32xf32>, vector<1000x32xf32> -> vector<1000x32xf32>
    %get3A_115 = arith.constant 0 : index
    %get3A_116 = vector.load %arg7[%get3A_115] : memref<32xf32, #tpu.memory_space<vmem>>, vector<32xf32>
    %broadcast_in_dim3A_117 = vector.shape_cast %get3A_116 : vector<32xf32> to vector<1x32xf32>
    %add3A_118 = vector.broadcast %broadcast_in_dim3A_117 : vector<1x32xf32> to vector<1000x32xf32>
    %add3A_119 = arith.addf %dot_general3A_114, %add3A_118 : vector<1000x32xf32>
    %get3A_120 = arith.constant 0 : index
    %get3A_121 = arith.constant 0 : index
    %get3A_122 = vector.load %arg8[%get3A_120, %get3A_121] : memref<32x32xf32, #tpu.memory_space<vmem>>, vector<32x32xf32>
    %dot_general3A_123 = arith.constant dense<0.000000e+00> : vector<1000x32xf32>
    %dot_general3A_124 = tpu.matmul %add3A_119, %get3A_122, %dot_general3A_123 {dimension_numbers = #tpu.dot_dimension_numbers<[1], [0], [0], [1], [0, 0, 1, 1], [], []>, transpose_lhs_hint = false} : vector<1000x32xf32>, vector<32x32xf32>, vector<1000x32xf32> -> vector<1000x32xf32>
    %get3A_125 = arith.constant 0 : index
    %get3A_126 = vector.load %arg9[%get3A_125] : memref<32xf32, #tpu.memory_space<vmem>>, vector<32xf32>
    %broadcast_in_dim3A_127 = vector.shape_cast %get3A_126 : vector<32xf32> to vector<1x32xf32>
    %add3A_128 = vector.broadcast %broadcast_in_dim3A_127 : vector<1x32xf32> to vector<1000x32xf32>
    %add3A_129 = arith.addf %dot_general3A_124, %add3A_128 : vector<1000x32xf32>
    %swap3A_130 = arith.constant 0 : index
    %swap3A_131 = arith.constant 0 : index
    %swap3A_132 = vector.load %arg11[%swap3A_130, %swap3A_131] : memref<1000x32xf32, #tpu.memory_space<vmem>>, vector<1000x32xf32>
    tpu.vector_store %arg11[%swap3A_130, %swap3A_131], %add3A_129 {strides = array<i32>} : memref<1000x32xf32, #tpu.memory_space<vmem>>, vector<1000x32xf32>,
    return
  }
  func.func @transform_0(%arg0: i32) -> (i32, i32, i32) {
    %c0_i32 = arith.constant 0 : i32
    %c0_i32_0 = arith.constant 0 : i32
    %c0_i32_1 = arith.constant 0 : i32
    return %c0_i32, %arg0, %c0_i32_0 : i32, i32, i32
  }
  func.func @transform_1(%arg0: i32) -> (i32, i32) {
    %c0_i32 = arith.constant 0 : i32
    %c0_i32_0 = arith.constant 0 : i32
    return %arg0, %c0_i32 : i32, i32
  }
  func.func @transform_2(%arg0: i32) -> (i32, i32) {
    %c0_i32 = arith.constant 0 : i32
    %c0_i32_0 = arith.constant 0 : i32
    %c0_i32_1 = arith.constant 0 : i32
    return %c0_i32, %c0_i32_0 : i32, i32
  }
  func.func @transform_3(%arg0: i32) -> (i32, i32) {
    %c0_i32 = arith.constant 0 : i32
    %c0_i32_0 = arith.constant 0 : i32
    %c0_i32_1 = arith.constant 0 : i32
    return %c0_i32, %c0_i32_0 : i32, i32
  }
  func.func @transform_4(%arg0: i32) -> i32 {
    %c0_i32 = arith.constant 0 : i32
    %c0_i32_0 = arith.constant 0 : i32
    return %c0_i32 : i32
  }
  func.func @transform_5(%arg0: i32) -> (i32, i32) {
    %c0_i32 = arith.constant 0 : i32
    %c0_i32_0 = arith.constant 0 : i32
    %c0_i32_1 = arith.constant 0 : i32
    return %c0_i32, %c0_i32_0 : i32, i32
  }
  func.func @transform_6(%arg0: i32) -> i32 {
    %c0_i32 = arith.constant 0 : i32
    %c0_i32_0 = arith.constant 0 : i32
    return %c0_i32 : i32
  }
  func.func @transform_7(%arg0: i32) -> (i32, i32) {
    %c0_i32 = arith.constant 0 : i32
    %c0_i32_0 = arith.constant 0 : i32
    %c0_i32_1 = arith.constant 0 : i32
    return %c0_i32, %c0_i32_0 : i32, i32
  }
  func.func @transform_8(%arg0: i32) -> i32 {
    %c0_i32 = arith.constant 0 : i32
    %c0_i32_0 = arith.constant 0 : i32
    return %c0_i32 : i32
  }
  func.func @transform_9(%arg0: i32) -> (i32, i32) {
    %c0_i32 = arith.constant 0 : i32
    %c0_i32_0 = arith.constant 0 : i32
    return %arg0, %c0_i32 : i32, i32
  }
  func.func @transform_10(%arg0: i32) -> (i32, i32) {
    %c0_i32 = arith.constant 0 : i32
    %c0_i32_0 = arith.constant 0 : i32
    return %arg0, %c0_i32 : i32, i32
  }
}

</mosaic_0001>

<sc_bundles>
// kernel: kernel.4.cloned.1.call-start
scs
__scs_entry_jumppad:
0x0: {  	(pc) =	sbr.rel $0x88, $3  }
0x1: {  	(tag) =	ssettag $0x0;
	lr =	simm.s32 $0x1  }
0x2: {  	[smem:$0x3F98] =	sst lr;
	_ =	strace $0xD0000000  }
0x3: {  	_ = 	snop  }
0x4: {  	_ = 	snop  }
0x5: {  	_ = 	snop  }
0x6: {  	_ = 	snop  }
0x7: {  	_ = 	snop  }
__scs_overlays_trampoline_lowered:
0x8: {  	[smem:$0x3FA7] =	sst s0  }
0x9: {  	[smem:$0x3FA8] =	sst s1  }
0xa: {  	[smem:$0x3FA9] =	sst s2  }
0xb: {  	[smem:$0x3FAA] =	sst s3  }
0xc: {  	[smem:$0x3FAB] =	sst s4  }
0xd: {  	[smem:$0x3FAC] =	sst s5  }
0xe: {  	[smem:$0x3FAD] =	sst s6  }
0xf: {  	[smem:$0x3FAE] =	sst s7  }
0x10: {  	[smem:$0x3FAF] =	sst s8  }
0x11: {  	[smem:$0x3FB0] =	sst s9;
	s0 =	simm.s32 @!p0 $0x0  }
0x12: {  	s1 =	sld [smem:$0x3F96];
	s0 =	simm.s32 @p0 $0x1  }
0x13: {  	[smem:$0x3FB1] =	sst s0;
	s0 =	simm.s32 @!p1 $0x0  }
0x14: {  	s2 =	sld [smem:$0x3F95];
	s0 =	simm.s32 @p1 $0x1  }
0x15: {  	[smem:$0x3FB2] =	sst s0;
	s0 =	simm.s32 @!p2 $0x0  }
0x16: {  	s3 =	sld [smem:$0x3FDB];
	s0 =	simm.s32 @p2 $0x1  }
0x17: {  	s4 =	simm.s32 $0x1BF5;
	[smem:$0x3FB4] =	sst s0  }
0x18: {  	s0 =	sld [smem:$0x3F97];
	_ =	swait.ge [sflag:s4], $0x0  }
0x19: {  	s7 =	sld [smem:$0x3F98]  }
0x1a: {  	s8 =	sadd.s32 $0xFFFFE003, lr  }
0x1b: {  	s9 =	sadd.s32 $0xFFFFFEF7, lr;
	s5 =	simm.s32 $0xFFFFFFFF;
	p2 =	slt.u32 s8, $0xFFFFF086  }
0x1c: {  	p1 =	slt.u32 s9, $0xF7A;
	s5 =	simm.s32 @!p2 $0x0  }
0x1d: {  	s5 =	simm.s32 @p1 $0x1;
	p0 =	seq.s32 s7, s2  }
0x1e: {  	s7 =	smul.u32 @!p0 $0xF7A, s2;
	p2 =	seq.s32 @!p0 s5, $0x0  }
0x1f: {  	s9 =	smul.u32 $0xF7A, s1;
	s8 =	simm.s32 @!p0 $0x1BF5;
	p2 =	por !p2, p0  }
0x20: {  	[sflag:s8] =	ssyncset.s32 @!p0 $0xFFFFF086;
	s6 =	sadd.s32 @!p0 s3, s7;
	s7 =	simm.s32 @!p0 $0x108  }
0x21: {  	s3 =	sadd.s32 s3, s9;
	s6 =	sadd.s32 @!p0 $0x88, s6;
	s7 =	simm.s32 @p2 $0x1082  }
0x22: {  	[simem:s7], [sflag:s8] =	dma.local @!p0 [hbm:s6], $0xF7A  }
0x23: {  	s9 =	sor.u32 $0xD0000000, s2;
	s6 =	simm.s32 $0x108;
	_ =	swait.ge @!p0 [sflag:s8], $0x0  }
0x24: {  	s3 =	sadd.s32 $0x88, s3;
	s6 =	simm.s32 @!p1 $0x1082;
	[sflag:s4] =	ssyncset.s32 $0xFFFFF086  }
0x25: {  	[simem:s6], [sflag:s4] =	dma.local [hbm:s3], $0xF7A  }
0x26: {  	[smem:$0x3F98] =	sst s1;
	(tag) =	ssettag s2;
	_ =	strace s9  }
0x27: {  	s1 =	sld [smem:$0x3FA8]  }
0x28: {  	s2 =	sld [smem:$0x3FA9]  }
0x29: {  	s4 =	sld [smem:$0x3FAB]  }
0x2a: {  	p0 =	seq.s32 s5, $0x0;
	s5 =	sld [smem:$0x3FAC]  }
0x2b: {  	s6 =	sld [smem:$0x3FAD]  }
0x2c: {  	s7 =	sld [smem:$0x3FAE]  }
0x2d: {  	s3 =	simm.s32 $0x108;
	s8 =	sld [smem:$0x3FAF]  }
0x2e: {  	s3 =	simm.s32 @!p0 $0x1082;
	s9 =	sld [smem:$0x3FB0]  }
0x2f: {  	lr =	sadd.s32 s0, s3;
	s0 =	sld [smem:$0x3FA7]  }
0x30: {  	s3 =	sld [smem:$0x3FAA]  }
0x31: {  	[smem:$0x3FB3] =	sst s10  }
0x32: {  	s10 =	sld [smem:$0x3FB1];
	_ =	sdelay $0x3  }
0x33: {  	p0 =	seq.s32 s10, $0x1;
	s10 =	sld [smem:$0x3FB3];
	_ =	sdelay $0x3  }
0x34: {  	[smem:$0x3FB3] =	sst s10  }
0x35: {  	s10 =	sld [smem:$0x3FB2];
	_ =	sdelay $0x3  }
0x36: {  	p1 =	seq.s32 s10, $0x1;
	s10 =	sld [smem:$0x3FB3];
	_ =	sdelay $0x3  }
0x37: {  	[smem:$0x3FB3] =	sst s10  }
0x38: {  	s10 =	sld [smem:$0x3FB4]  }
0x39: {  	_ = 	snop;
	(pc) =	sbr.ind lr, $3  }
0x3a: {  	_ = 	snop  }
0x3b: {  	_ = 	snop  }
0x3c: {  	p2 =	seq.s32 s10, $0x1;
	s10 =	sld [smem:$0x3FB3]  }
0x3d: {  	_ =	shalt  }
0x3e: {  	_ =	shalt  }
0x3f: {  	_ =	shalt  }
0x40: {  	_ =	shalt  }
0x41: {  	_ =	shalt  }
0x42: {  	_ =	shalt  }
0x43: {  	_ =	shalt  }
0x44: {  	_ =	shalt  }
0x45: {  	_ =	shalt  }
0x46: {  	_ =	shalt  }
0x47: {  	_ =	shalt  }
0x48: {  	_ =	shalt  }
0x49: {  	_ =	shalt  }
0x4a: {  	_ =	shalt  }
0x4b: {  	_ =	shalt  }
0x4c: {  	_ =	shalt  }
0x4d: {  	_ =	shalt  }
0x4e: {  	_ =	shalt  }
0x4f: {  	_ =	shalt  }
0x50: {  	_ =	shalt  }
0x51: {  	_ =	shalt  }
0x52: {  	_ =	shalt  }
0x53: {  	_ =	shalt  }
0x54: {  	_ =	shalt  }
0x55: {  	_ =	shalt  }
0x56: {  	_ =	shalt  }
0x57: {  	_ =	shalt  }
0x58: {  	_ =	shalt  }
0x59: {  	_ =	shalt  }
0x5a: {  	_ =	shalt  }
0x5b: {  	_ =	shalt  }
0x5c: {  	_ =	shalt  }
0x5d: {  	_ =	shalt  }
0x5e: {  	_ =	shalt  }
0x5f: {  	_ =	shalt  }
0x60: {  	_ =	shalt  }
0x61: {  	_ =	shalt  }
0x62: {  	_ =	shalt  }
0x63: {  	_ =	shalt  }
0x64: {  	_ =	shalt  }
0x65: {  	_ =	shalt  }
0x66: {  	_ =	shalt  }
0x67: {  	_ =	shalt  }
0x68: {  	_ =	shalt  }
0x69: {  	_ =	shalt  }
0x6a: {  	_ =	shalt  }
0x6b: {  	_ =	shalt  }
0x6c: {  	_ =	shalt  }
0x6d: {  	_ =	shalt  }
0x6e: {  	_ =	shalt  }
0x6f: {  	_ =	shalt  }
0x70: {  	_ =	shalt  }
0x71: {  	_ =	shalt  }
0x72: {  	_ =	shalt  }
0x73: {  	_ =	shalt  }
0x74: {  	_ =	shalt  }
0x75: {  	_ =	shalt  }
0x76: {  	_ =	shalt  }
0x77: {  	_ =	shalt  }
0x78: {  	_ =	shalt  }
0x79: {  	_ =	shalt  }
0x7a: {  	_ =	shalt  }
0x7b: {  	_ =	shalt  }
0x7c: {  	_ =	shalt  }
0x7d: {  	_ =	shalt  }
0x7e: {  	_ =	shalt  }
0x7f: {  	_ =	shalt  }
0x80: {  	_ =	shalt  }
0x81: {  	_ =	shalt  }
0x82: {  	_ =	shalt  }
0x83: {  	_ =	shalt  }
0x84: {  	_ =	shalt  }
0x85: {  	_ =	shalt  }
0x86: {  	_ =	shalt  }
0x87: {  	_ =	shalt  }
.Lfunc_end0:
.L_simem_size_0:
called_computation_lowered:
.L_overlay_start_0:
0x88: {  	s2 =	sld [smem:$0x3FD9]  }
0x89: {  	s3 =	sld [smem:$0x3FFE];
	_ =	sdelay $0x1  }
0x8a: {  	s1 =	srdreg.scid  }
0x8b: {  	s0 =	sand.u32 $0x1, s1  }
0x8c: {  	s14 =	sshll.u32 s0, $0xA;
	s2 =	sadd.s32 s3, s2  }
0x8d: {  	s2 =	sadd.s32 s2, s14  }
0x8e: {  	[smem:$0x3FBF] =	sst s2  }
0x8f: {  	_ = 	snop  }
0x90: {  	s2 =	sld [smem:$0x3FD0];
	_ =	sdelay $0x2  }
0x91: {  	s15 =	simm.s32 $0xA;
	s4 =	simm.s32 $0x10  }
0x92: {  	[smem:s4], [sflag:s15] =	dma.local [hbm:s2], $0x1  }
0x93: {  	_ =	swait.eq [sflag:s15], $0x1  }
0x94: {  	[sflag:s15] =	ssyncset.done $0x0  }
0x95: {  	s16 =	sld [smem:$0x10];
	[sflag:s15] =	ssyncadd.s32 $0xFFFFFFFF  }
0x96: {  	s17 =	sld [smem:$0x11];
	(tm) =	ssettm $0x1  }
0x97: {  	s18 =	sld [smem:$0x3FFB];
	_ =	sdelay $0x3  }
0x98: {  	_ =	strace s18  }
0x99: {  	s4 =	sld [smem:$0x3FFC];
	_ =	sdelay $0x3  }
0x9a: {  	_ =	strace s4  }
0x9b: {  	s4 =	sld [smem:$0x3FFD];
	_ =	sdelay $0x3  }
0x9c: {  	_ =	strace s4  }
0x9d: {  	_ =	strace $0x8FFFFFFF  }
0x9e: {  	s19 =	sld [smem:$0x3FDB];
	_ =	sdelay $0x1  }
0x9f: {  	s5 =	simm.s32 $_scs_section_size  }
0xa0: {  	s6 =	simm.s32 $_size__tile_overlayer_lowered;
	s7 =	simm.s32 $_tile_overlayer_lowered  }
0xa1: {  	s22 =	simm.s32 $0x1BFF;
	s21 =	sshll.u32 s7, $0x1;
	s4 =	sadd.s32 s5, s19  }
0xa2: {  	s8 =	simm.s32 $0x0;
	s20 =	sshll.u32 s6, $0x1;
	s6 =	sadd.s32 s21, s4  }
0xa3: {  	[timem:s8], [sflag:s22] =	dma.local [hbm:s6], s20  }
0xa4: {  	_ =	swait.ge [sflag:s22], s20  }
0xa5: {  	s5 =	ssub.s32 $0x0, s20;
	[sflag:s22] =	ssyncset.done $0x0  }
0xa6: {  	[sflag:s22] =	ssyncadd.s32 s5;
	_ =	sdelay $0x1  }
0xa7: {  	s23 =	simm.s32 $0x1B8B  }
0xa8: {  	_ =	swait.ge [sflag:s23], $0x1  }
0xa9: {  	[sflag:s23] =	ssyncset.done $0x0  }
0xaa: {  	s25 =	simm.s32 $0x1B8E;
	s24 =	sld [smem:$0x3FFE];
	[sflag:s23] =	ssyncadd.s32 $0xFFFFFFFF  }
0xab: {  	s26 =	simm.s32 $execute0_lowered;
	[smem:$0x3FD2] =	sst s25  }
0xac: {  	s6 =	sshll.u32 s26, $0x1;
	_ =	strace $0x80000046;
	[dreg:$0x1] =	wrdreg $0xFFFFFFFF  }
0xad: {  	s28 =	simm.s32 $_size_execute0_lowered;
	s4 =	sadd.s32 s4, s6;
	[dreg:$0x0] =	wrdreg $0x0  }
0xae: {  	s6 =	sshll.u32 s28, $0x1;
	[dreg:$0x2] =	wrdreg s4  }
0xaf: {  	[dreg:$0x3] =	wrdreg s6  }
0xb0: {  	[dreg:$0x4] =	wrdreg $0xC0  }
0xb1: {  	_ =	task [dreg:s8], $0x5FFFF  }
0xb2: {  	[dreg:$0x1] =	wrdreg $0xFFFFFFFF  }
0xb3: {  	[dreg:$0x0] =	wrdreg $0x60  }
0xb4: {  	[dreg:$0x2] =	wrdreg s24  }
0xb5: {  	[dreg:$0x3] =	wrdreg s16  }
0xb6: {  	[dreg:$0x4] =	wrdreg s17  }
0xb7: {  	[dreg:$0x5] =	wrdreg $0x64A00  }
0xb8: {  	[dreg:$0x6] =	wrdreg $0x9  }
0xb9: {  	_ =	task.clear_ibuf [dreg:s8], $0x7FFFF;
	_ =	strace $0x90000046  }
0xba: {  	s29 =	simm.s32 $0x9;
	_ =	strace $0x80000048  }
0xbb: {  	_ =	swait.ge [sflag:s29], $0x1  }
0xbc: {  	[sflag:s29] =	ssyncadd.s32 $0xFFFFFFFF  }
0xbd: {  	_ =	strace $0x90000048  }
0xbe: {  	_ =	sfence  }
0xbf: {  	s30 =	sld [smem:$0x0];
	_ =	sdelay $0x2  }
0xc0: {  	s31 =	sshll.u32 s1, $0xD;
	s1 =	sshrl.u32 s1, $0x2  }
0xc1: {  	s3 =	sand.u32 $0x4000, s31;
	s1 =	sadd.s32 s1, s30  }
0xc2: {  	s0 =	sor.u32 s3, s0;
	s1 =	sshll.u32 s1, $0x11  }
0xc3: {  	s0 =	sor.u32 s1, s0  }
0xc4: {  	s0 =	sadd.s32 $0x8F2B, s0  }
0xc5: {  	[sflag:s0] =	ssyncadd.remote.s32 $0x1  }
0xc6: {  	_ =	sfence.sel $0xFFFF  }
0xc7: {  	[dreg:$0x0] =	wrdreg $0xFFFFFFFF;
	(pc) =	sbr.abs _section_cstart, $3  }
0xc8: {  	[dreg:$0x1] =	wrdreg $0xFFFFFFFF  }
0xc9: {  	_ =	task.clear_ibuf [dreg:s8], $0x2FFFF;
	_ =	strace $0x9FFFFFFF  }
0xca: {  	(tm) =	ssettm $0x7FFFFFFF  }
0xcb: {  	_ =	shalt  }
tec
execute0_lowered:
.L_overlay_start_1:
0x0: {  	(tag) =	ssettag $0x1  }
0x1: {  	s0 =	rddreg [dreg:$0x0]  }
0x2: {  	s16 =	rddreg [dreg:$0x1]  }
0x3: {  	s17 =	rddreg [dreg:$0x2]  }
0x4: {  	s2 =	rddreg [dreg:$0x3];
	s3 =	simm.s32 $0x0  }
0x5: {  	s4 =	srdreg.scid;
	s1 =	stileid.u32;
	s20 =	simm.s32 $0x3  }
0x6: {  	s21 =	simm.s32 $0x7D0;
	s22 =	simm.s32 $0x50;
	s23 =	simm.s32 $0xFA0  }
0x7: {  	s28 =	simm.s32 $0xF50;
	s29 =	simm.s32 $0x0;
	[smem:$0x7FF] =	sst s3  }
0x8: {  	s6 =	sand.u32 $0x1, s4;
	s7 =	smul.u32 $0x29F8, s1;
	s4 =	sadd.s32 $0xE00, s0  }
0x9: {  	s5 =	sadd.s32 $0x2A800, s0;
	s25 =	smul.u32 $0x53F00, s1;
	s31 =	sshll.u32 s1, $0x6  }
0xa: {  	_ =	strace $0x80000047;
	s8 =	smul.u32 $0x29F80, s6;
	s9 =	sshll.u32 s6, $0x4  }
0xb: {  	[dreg:$0x5] =	wrdreg s5;
	s6 =	ssub.s32 $0x2, s6;
	s24 =	sor.u32 s1, s9  }
0xc: {  	s26 =	sshrl.u32 s6, $0x1;
	s9 =	sshrl.u32 s25, $0x2;
	s10 =	smul.u32 $0x4E2, s24  }
0xd: {  	s25 =	simm.s32 $0x1;
	s7 =	sadd.s32 s7, s8;
	s11 =	smul.u32 $0x2710, s24  }
0xe: {  	s19 =	ssub.s32 s6, s26;
	s30 =	sadd.s32 s9, s2;
	s24 =	simm.s32 $0x3A20  }
0xf: {  	s26 =	simm.s32 $0x2;
	s0 =	sadd.s32 s7, s0;
	[dreg:$0x6] =	wrdreg s30  }
0x10: {  	s7 =	sor.u32 $0x1C03, s31;
	s19 =	smax.u32 s19, $0x1;
	s14 =	sshrl.u32 s11, $0x3  }
0x11: {  	s8 =	sadd.s32 s16, s10;
	s9 =	sadd.s32 s17, s10;
	s11 =	sadd.s32 $0xFA, s14  }
0x12: {  	s13 =	sadd.s32 $0x1F4, s14;
	s15 =	sadd.s32 $0x2EE, s14;
	s18 =	sadd.s32 $0x3E8, s14  }
0x13: {  	s10 =	sadd.s32 s16, s11;
	s11 =	sadd.s32 s17, s11;
	s12 =	sadd.s32 s16, s13  }
0x14: {  	s13 =	sadd.s32 s17, s13;
	s14 =	sadd.s32 s16, s15;
	s15 =	sadd.s32 s17, s15  }
0x15: {  	s16 =	sadd.s32 s16, s18;
	s17 =	sadd.s32 s17, s18;
	s18 =	sadd.s32 $0x2D200, s0  }
.LBB2_1:
0x16: {  	s0 =	rddreg [dreg:$0x6]  }
0x17: {  	s5 =	rddreg [dreg:$0x5];
	s30 =	sshrl.u32 s0, $0x3  }
0x18: {  	[spmem:s30], [sflag:s7] =	dma.local [hbm:s5], $0x29F8  }
0x19: {  	_ =	swait.ge [sflag:s20], $0x29F8  }
0x1a: {  	[sflag:s20] =	ssyncset.done $0x0  }
0x1b: {  	[sflag:s20] =	ssyncadd.s32 $0xFFFFD608  }
0x1c: {  	[bflag:$0x0] =	sbarrier.arrive $0xFFFF  }
0x1d: {  	[tilespmem:s3], [sflag:$0x3] =	stream.linear.gather [hbm4b:s8+s3], $0x7D0, $0x38;
	[tilespmem:$0x1B460] =	vst v63  }
0x1e: {  	_ =	swait.ge [sflag:s20], $0x7D0  }
0x1f: {  	[sflag:s20] =	ssyncset.done $0x0  }
0x20: {  	[sflag:s20] =	ssyncadd.s32 $0xFFFFF830  }
0x21: {  	[tilespmem:s21], [sflag:$0x3] =	stream.linear.gather [hbm4b:s9+s3], $0x7D0, $0x38;
	[tilespmem:$0x1B460] =	vst v63  }
0x22: {  	_ =	swait.ge [sflag:s20], $0x7D0  }
0x23: {  	[sflag:s20] =	ssyncset.done $0x0  }
0x24: {  	[sflag:s20] =	ssyncadd.s32 $0xFFFFF830  }
0x25: {  	[tilespmem:s23], [sflag:$0x1] =	stream.indirect.gather [hbm4b:s4+s22], $0x88, s3, s22, $0xb8;
	[tilespmem:$0x1B460] =	vst v63  }
0x26: {  	s6 =	simm.s32 $0x50  }
0x27: {  	[tilespmem:s24], [sflag:$0x2] =	stream.indirect.gather [hbm4b:s4+s22], $0x88, s6, s22, $0xb8;
	[tilespmem:$0x1B460] =	vst v63  }
0x28: {  	_ =	swait.ge [sflag:s25], $0x2A80  }
0x29: {  	[sflag:s25] =	ssyncset.done $0x0  }
0x2a: {  	s1 =	simm.s32 $0x7D0;
	[sflag:s25] =	ssyncadd.s32 $0xFFFFD580  }
0x2b: {  	[spmem:s2] =	stream.indirect.scatter.add.f32 [tilespmem:s23], [sflag:$0x3], $0x88, s1, s22, $0xb8;
	[tilespmem:$0x1B460] =	vst v63  }
0x2c: {  	_ =	swait.ge [sflag:s20], $0x2A80  }
0x2d: {  	[sflag:s20] =	ssyncset.done $0x0  }
0x2e: {  	s5 =	simm.s32 $0xA0;
	[sflag:s20] =	ssyncadd.s32 $0xFFFFD580  }
0x2f: {  	[tilespmem:s23], [sflag:$0x1] =	stream.indirect.gather [hbm4b:s4+s22], $0x88, s5, s22, $0xb8;
	[tilespmem:$0x1B460] =	vst v63  }
0x30: {  	_ =	swait.ge [sflag:s26], $0x2A80  }
0x31: {  	[sflag:s26] =	ssyncset.done $0x0  }
0x32: {  	s6 =	simm.s32 $0x820;
	[sflag:s26] =	ssyncadd.s32 $0xFFFFD580  }
0x33: {  	[spmem:s2] =	stream.indirect.scatter.add.f32 [tilespmem:s24], [sflag:$0x3], $0x88, s6, s22, $0xb8;
	[tilespmem:$0x1B460] =	vst v63  }
0x34: {  	_ =	swait.ge [sflag:s20], $0x2A80  }
0x35: {  	s31 =	simm.s32 $0xA0;
	s0 =	simm.s32 $0x500;
	[sflag:s20] =	ssyncset.done $0x0  }
.LBB2_2:
0x36: {  	s1 =	sadd.s32 $0x50, s31  }
0x37: {  	[sflag:s20] =	ssyncadd.s32 $0xFFFFD580;
	s5 =	smov.u32 s0;
	s6 =	sadd.s32 $0x280, s0  }
0x38: {  	[tilespmem:s24], [sflag:$0x2] =	stream.indirect.gather [hbm4b:s4+s22], $0x88, s1, s22, $0xb8;
	[tilespmem:$0x1B460] =	vst v63  }
0x39: {  	p0 =	sne.s32 s0, $0x1B80;
	_ =	swait.ge [sflag:s25], $0x2A80  }
0x3a: {  	[sflag:s25] =	ssyncset.done $0x0  }
0x3b: {  	s0 =	sadd.s32 $0x7D0, s31;
	[sflag:s25] =	ssyncadd.s32 $0xFFFFD580  }
0x3c: {  	[spmem:s2] =	stream.indirect.scatter.add.f32 [tilespmem:s23], [sflag:$0x3], $0x88, s0, s22, $0xb8;
	[tilespmem:$0x1B460] =	vst v63  }
0x3d: {  	_ =	swait.ge [sflag:s20], $0x2A80  }
0x3e: {  	[sflag:s20] =	ssyncset.done $0x0  }
0x3f: {  	s0 =	sadd.s32 $0xA0, s31;
	[sflag:s20] =	ssyncadd.s32 $0xFFFFD580  }
0x40: {  	[tilespmem:s23], [sflag:$0x1] =	stream.indirect.gather [hbm4b:s4+s22], $0x88, s0, s22, $0xb8;
	[tilespmem:$0x1B460] =	vst v63  }
0x41: {  	_ =	swait.ge [sflag:s26], $0x2A80  }
.Ltmp0:
0x42: {  	[sflag:s26] =	ssyncset.done $0x0;
	(pc) =	sbr.rel @p0 .LBB2_2-.Ltmp0, $4  }
0x43: {  	s0 =	sadd.s32 $0x820, s31;
	[sflag:s26] =	ssyncadd.s32 $0xFFFFD580  }
0x44: {  	[spmem:s2] =	stream.indirect.scatter.add.f32 [tilespmem:s24], [sflag:$0x3], $0x88, s0, s22, $0xb8;
	[tilespmem:$0x1B460] =	vst v63  }
0x45: {  	_ =	swait.ge [sflag:s20], $0x2A80  }
0x46: {  	s31 =	sshra.s32 s5, $0x2;
	s0 =	smov.u32 s6;
	[sflag:s20] =	ssyncset.done $0x0  }
0x47: {  	s0 =	sadd.s32 $0x50, s31;
	[sflag:s20] =	ssyncadd.s32 $0xFFFFD580  }
0x48: {  	[tilespmem:s24], [sflag:$0x2] =	stream.indirect.gather [hbm4b:s4+s22], $0x88, s0, s22, $0xb8;
	[tilespmem:$0x1B460] =	vst v63  }
0x49: {  	_ =	swait.ge [sflag:s25], $0x2A80  }
0x4a: {  	[sflag:s25] =	ssyncset.done $0x0  }
0x4b: {  	s5 =	sadd.s32 $0x7D0, s31;
	[sflag:s25] =	ssyncadd.s32 $0xFFFFD580  }
0x4c: {  	[spmem:s2] =	stream.indirect.scatter.add.f32 [tilespmem:s23], [sflag:$0x3], $0x88, s5, s22, $0xb8;
	[tilespmem:$0x1B460] =	vst v63  }
0x4d: {  	_ =	swait.ge [sflag:s20], $0x2A80  }
0x4e: {  	[sflag:s20] =	ssyncset.done $0x0  }
0x4f: {  	s6 =	sadd.s32 $0xA0, s31;
	[sflag:s20] =	ssyncadd.s32 $0xFFFFD580  }
0x50: {  	[tilespmem:s23], [sflag:$0x1] =	stream.indirect.gather [hbm4b:s4+s22], $0x88, s6, s22, $0xb8;
	[tilespmem:$0x1B460] =	vst v63  }
0x51: {  	_ =	swait.ge [sflag:s26], $0x2A80  }
0x52: {  	[sflag:s26] =	ssyncset.done $0x0  }
0x53: {  	s1 =	sadd.s32 $0x820, s31;
	[sflag:s26] =	ssyncadd.s32 $0xFFFFD580  }
0x54: {  	[spmem:s2] =	stream.indirect.scatter.add.f32 [tilespmem:s24], [sflag:$0x3], $0x88, s1, s22, $0xb8;
	[tilespmem:$0x1B460] =	vst v63  }
0x55: {  	_ =	swait.ge [sflag:s20], $0x2A80  }
0x56: {  	[sflag:s20] =	ssyncset.done $0x0  }
0x57: {  	[sflag:s20] =	ssyncadd.s32 $0xFFFFD580  }
0x58: {  	_ =	swait.ge [sflag:s25], $0x2A80  }
0x59: {  	[sflag:s25] =	ssyncset.done $0x0  }
0x5a: {  	[sflag:s25] =	ssyncadd.s32 $0xFFFFD580  }
0x5b: {  	[spmem:s2] =	stream.indirect.scatter.add.f32 [tilespmem:s23], [sflag:$0x3], $0x88, s28, s22, $0xb8;
	[tilespmem:$0x1B460] =	vst v63  }
0x5c: {  	_ =	swait.ge [sflag:s20], $0x2A80  }
0x5d: {  	[sflag:s20] =	ssyncset.done $0x0  }
0x5e: {  	s5 =	simm.s32 $0x0;
	[sflag:s20] =	ssyncadd.s32 $0xFFFFD580  }
0x5f: {  	[tilespmem:s5], [sflag:$0x3] =	stream.linear.gather [hbm4b:s10+s5], $0x7D0, $0x38;
	[tilespmem:$0x1B460] =	vst v63  }
0x60: {  	_ =	swait.ge [sflag:s20], $0x7D0  }
0x61: {  	[sflag:s20] =	ssyncset.done $0x0  }
0x62: {  	[sflag:s20] =	ssyncadd.s32 $0xFFFFF830  }
0x63: {  	[tilespmem:s21], [sflag:$0x3] =	stream.linear.gather [hbm4b:s11+s5], $0x7D0, $0x38;
	[tilespmem:$0x1B460] =	vst v63  }
0x64: {  	_ =	swait.ge [sflag:s20], $0x7D0  }
0x65: {  	[sflag:s20] =	ssyncset.done $0x0  }
0x66: {  	[sflag:s20] =	ssyncadd.s32 $0xFFFFF830  }
0x67: {  	[tilespmem:s23], [sflag:$0x1] =	stream.indirect.gather [hbm4b:s4+s22], $0x88, s5, s22, $0xb8;
	[tilespmem:$0x1B460] =	vst v63  }
0x68: {  	s6 =	simm.s32 $0x50  }
0x69: {  	[tilespmem:s24], [sflag:$0x2] =	stream.indirect.gather [hbm4b:s4+s22], $0x88, s6, s22, $0xb8;
	[tilespmem:$0x1B460] =	vst v63  }
0x6a: {  	_ =	swait.ge [sflag:s25], $0x2A80  }
0x6b: {  	[sflag:s25] =	ssyncset.done $0x0  }
0x6c: {  	s1 =	simm.s32 $0x7D0;
	[sflag:s25] =	ssyncadd.s32 $0xFFFFD580  }
0x6d: {  	[spmem:s2] =	stream.indirect.scatter.add.f32 [tilespmem:s23], [sflag:$0x3], $0x88, s1, s22, $0xb8;
	[tilespmem:$0x1B460] =	vst v63  }
0x6e: {  	_ =	swait.ge [sflag:s20], $0x2A80  }
0x6f: {  	[sflag:s20] =	ssyncset.done $0x0  }
0x70: {  	s5 =	simm.s32 $0xA0;
	[sflag:s20] =	ssyncadd.s32 $0xFFFFD580  }
0x71: {  	[tilespmem:s23], [sflag:$0x1] =	stream.indirect.gather [hbm4b:s4+s22], $0x88, s5, s22, $0xb8;
	[tilespmem:$0x1B460] =	vst v63  }
0x72: {  	_ =	swait.ge [sflag:s26], $0x2A80  }
0x73: {  	[sflag:s26] =	ssyncset.done $0x0  }
0x74: {  	s6 =	simm.s32 $0x820;
	[sflag:s26] =	ssyncadd.s32 $0xFFFFD580  }
0x75: {  	[spmem:s2] =	stream.indirect.scatter.add.f32 [tilespmem:s24], [sflag:$0x3], $0x88, s6, s22, $0xb8;
	[tilespmem:$0x1B460] =	vst v63  }
0x76: {  	_ =	swait.ge [sflag:s20], $0x2A80  }
0x77: {  	s31 =	simm.s32 $0xA0;
	s0 =	simm.s32 $0x500;
	[sflag:s20] =	ssyncset.done $0x0  }
.LBB2_4:
0x78: {  	s1 =	sadd.s32 $0x50, s31  }
0x79: {  	[sflag:s20] =	ssyncadd.s32 $0xFFFFD580;
	s5 =	smov.u32 s0;
	s6 =	sadd.s32 $0x280, s0  }
0x7a: {  	[tilespmem:s24], [sflag:$0x2] =	stream.indirect.gather [hbm4b:s4+s22], $0x88, s1, s22, $0xb8;
	[tilespmem:$0x1B460] =	vst v63  }
0x7b: {  	p0 =	sne.s32 s0, $0x1B80;
	_ =	swait.ge [sflag:s25], $0x2A80  }
0x7c: {  	[sflag:s25] =	ssyncset.done $0x0  }
0x7d: {  	s0 =	sadd.s32 $0x7D0, s31;
	[sflag:s25] =	ssyncadd.s32 $0xFFFFD580  }
0x7e: {  	[spmem:s2] =	stream.indirect.scatter.add.f32 [tilespmem:s23], [sflag:$0x3], $0x88, s0, s22, $0xb8;
	[tilespmem:$0x1B460] =	vst v63  }
0x7f: {  	_ =	swait.ge [sflag:s20], $0x2A80  }
0x80: {  	[sflag:s20] =	ssyncset.done $0x0  }
0x81: {  	s0 =	sadd.s32 $0xA0, s31;
	[sflag:s20] =	ssyncadd.s32 $0xFFFFD580  }
0x82: {  	[tilespmem:s23], [sflag:$0x1] =	stream.indirect.gather [hbm4b:s4+s22], $0x88, s0, s22, $0xb8;
	[tilespmem:$0x1B460] =	vst v63  }
0x83: {  	_ =	swait.ge [sflag:s26], $0x2A80  }
.Ltmp1:
0x84: {  	[sflag:s26] =	ssyncset.done $0x0;
	(pc) =	sbr.rel @p0 .LBB2_4-.Ltmp1, $4  }
0x85: {  	s0 =	sadd.s32 $0x820, s31;
	[sflag:s26] =	ssyncadd.s32 $0xFFFFD580  }
0x86: {  	[spmem:s2] =	stream.indirect.scatter.add.f32 [tilespmem:s24], [sflag:$0x3], $0x88, s0, s22, $0xb8;
	[tilespmem:$0x1B460] =	vst v63  }
0x87: {  	_ =	swait.ge [sflag:s20], $0x2A80  }
0x88: {  	s31 =	sshra.s32 s5, $0x2;
	s0 =	smov.u32 s6;
	[sflag:s20] =	ssyncset.done $0x0  }
0x89: {  	s0 =	sadd.s32 $0x50, s31;
	[sflag:s20] =	ssyncadd.s32 $0xFFFFD580  }
0x8a: {  	[tilespmem:s24], [sflag:$0x2] =	stream.indirect.gather [hbm4b:s4+s22], $0x88, s0, s22, $0xb8;
	[tilespmem:$0x1B460] =	vst v63  }
0x8b: {  	_ =	swait.ge [sflag:s25], $0x2A80  }
0x8c: {  	[sflag:s25] =	ssyncset.done $0x0  }
0x8d: {  	s5 =	sadd.s32 $0x7D0, s31;
	[sflag:s25] =	ssyncadd.s32 $0xFFFFD580  }
0x8e: {  	[spmem:s2] =	stream.indirect.scatter.add.f32 [tilespmem:s23], [sflag:$0x3], $0x88, s5, s22, $0xb8;
	[tilespmem:$0x1B460] =	vst v63  }
0x8f: {  	_ =	swait.ge [sflag:s20], $0x2A80  }
0x90: {  	[sflag:s20] =	ssyncset.done $0x0  }
0x91: {  	s6 =	sadd.s32 $0xA0, s31;
	[sflag:s20] =	ssyncadd.s32 $0xFFFFD580  }
0x92: {  	[tilespmem:s23], [sflag:$0x1] =	stream.indirect.gather [hbm4b:s4+s22], $0x88, s6, s22, $0xb8;
	[tilespmem:$0x1B460] =	vst v63  }
0x93: {  	_ =	swait.ge [sflag:s26], $0x2A80  }
0x94: {  	[sflag:s26] =	ssyncset.done $0x0  }
0x95: {  	s1 =	sadd.s32 $0x820, s31;
	[sflag:s26] =	ssyncadd.s32 $0xFFFFD580  }
0x96: {  	[spmem:s2] =	stream.indirect.scatter.add.f32 [tilespmem:s24], [sflag:$0x3], $0x88, s1, s22, $0xb8;
	[tilespmem:$0x1B460] =	vst v63  }
0x97: {  	_ =	swait.ge [sflag:s20], $0x2A80  }
0x98: {  	[sflag:s20] =	ssyncset.done $0x0  }
0x99: {  	[sflag:s20] =	ssyncadd.s32 $0xFFFFD580  }
0x9a: {  	_ =	swait.ge [sflag:s25], $0x2A80  }
0x9b: {  	[sflag:s25] =	ssyncset.done $0x0  }
0x9c: {  	[sflag:s25] =	ssyncadd.s32 $0xFFFFD580  }
0x9d: {  	[spmem:s2] =	stream.indirect.scatter.add.f32 [tilespmem:s23], [sflag:$0x3], $0x88, s28, s22, $0xb8;
	[tilespmem:$0x1B460] =	vst v63  }
0x9e: {  	_ =	swait.ge [sflag:s20], $0x2A80  }
0x9f: {  	[sflag:s20] =	ssyncset.done $0x0  }
0xa0: {  	s5 =	simm.s32 $0x0;
	[sflag:s20] =	ssyncadd.s32 $0xFFFFD580  }
0xa1: {  	[tilespmem:s5], [sflag:$0x3] =	stream.linear.gather [hbm4b:s12+s5], $0x7D0, $0x38;
	[tilespmem:$0x1B460] =	vst v63  }
0xa2: {  	_ =	swait.ge [sflag:s20], $0x7D0  }
0xa3: {  	[sflag:s20] =	ssyncset.done $0x0  }
0xa4: {  	[sflag:s20] =	ssyncadd.s32 $0xFFFFF830  }
0xa5: {  	[tilespmem:s21], [sflag:$0x3] =	stream.linear.gather [hbm4b:s13+s5], $0x7D0, $0x38;
	[tilespmem:$0x1B460] =	vst v63  }
0xa6: {  	_ =	swait.ge [sflag:s20], $0x7D0  }
0xa7: {  	[sflag:s20] =	ssyncset.done $0x0  }
0xa8: {  	[sflag:s20] =	ssyncadd.s32 $0xFFFFF830  }
0xa9: {  	[tilespmem:s23], [sflag:$0x1] =	stream.indirect.gather [hbm4b:s4+s22], $0x88, s5, s22, $0xb8;
	[tilespmem:$0x1B460] =	vst v63  }
0xaa: {  	s6 =	simm.s32 $0x50  }
0xab: {  	[tilespmem:s24], [sflag:$0x2] =	stream.indirect.gather [hbm4b:s4+s22], $0x88, s6, s22, $0xb8;
	[tilespmem:$0x1B460] =	vst v63  }
0xac: {  	_ =	swait.ge [sflag:s25], $0x2A80  }
0xad: {  	[sflag:s25] =	ssyncset.done $0x0  }
0xae: {  	s1 =	simm.s32 $0x7D0;
	[sflag:s25] =	ssyncadd.s32 $0xFFFFD580  }
0xaf: {  	[spmem:s2] =	stream.indirect.scatter.add.f32 [tilespmem:s23], [sflag:$0x3], $0x88, s1, s22, $0xb8;
	[tilespmem:$0x1B460] =	vst v63  }
0xb0: {  	_ =	swait.ge [sflag:s20], $0x2A80  }
0xb1: {  	[sflag:s20] =	ssyncset.done $0x0  }
0xb2: {  	s5 =	simm.s32 $0xA0;
	[sflag:s20] =	ssyncadd.s32 $0xFFFFD580  }
0xb3: {  	[tilespmem:s23], [sflag:$0x1] =	stream.indirect.gather [hbm4b:s4+s22], $0x88, s5, s22, $0xb8;
	[tilespmem:$0x1B460] =	vst v63  }
0xb4: {  	_ =	swait.ge [sflag:s26], $0x2A80  }
0xb5: {  	[sflag:s26] =	ssyncset.done $0x0  }
0xb6: {  	s6 =	simm.s32 $0x820;
	[sflag:s26] =	ssyncadd.s32 $0xFFFFD580  }
0xb7: {  	[spmem:s2] =	stream.indirect.scatter.add.f32 [tilespmem:s24], [sflag:$0x3], $0x88, s6, s22, $0xb8;
	[tilespmem:$0x1B460] =	vst v63  }
0xb8: {  	_ =	swait.ge [sflag:s20], $0x2A80  }
0xb9: {  	s31 =	simm.s32 $0xA0;
	s0 =	simm.s32 $0x500;
	[sflag:s20] =	ssyncset.done $0x0  }
.LBB2_6:
0xba: {  	s1 =	sadd.s32 $0x50, s31  }
0xbb: {  	[sflag:s20] =	ssyncadd.s32 $0xFFFFD580;
	s5 =	smov.u32 s0;
	s6 =	sadd.s32 $0x280, s0  }
0xbc: {  	[tilespmem:s24], [sflag:$0x2] =	stream.indirect.gather [hbm4b:s4+s22], $0x88, s1, s22, $0xb8;
	[tilespmem:$0x1B460] =	vst v63  }
0xbd: {  	p0 =	sne.s32 s0, $0x1B80;
	_ =	swait.ge [sflag:s25], $0x2A80  }
0xbe: {  	[sflag:s25] =	ssyncset.done $0x0  }
0xbf: {  	s0 =	sadd.s32 $0x7D0, s31;
	[sflag:s25] =	ssyncadd.s32 $0xFFFFD580  }
0xc0: {  	[spmem:s2] =	stream.indirect.scatter.add.f32 [tilespmem:s23], [sflag:$0x3], $0x88, s0, s22, $0xb8;
	[tilespmem:$0x1B460] =	vst v63  }
0xc1: {  	_ =	swait.ge [sflag:s20], $0x2A80  }
0xc2: {  	[sflag:s20] =	ssyncset.done $0x0  }
0xc3: {  	s0 =	sadd.s32 $0xA0, s31;
	[sflag:s20] =	ssyncadd.s32 $0xFFFFD580  }
0xc4: {  	[tilespmem:s23], [sflag:$0x1] =	stream.indirect.gather [hbm4b:s4+s22], $0x88, s0, s22, $0xb8;
	[tilespmem:$0x1B460] =	vst v63  }
0xc5: {  	_ =	swait.ge [sflag:s26], $0x2A80  }
.Ltmp2:
0xc6: {  	[sflag:s26] =	ssyncset.done $0x0;
	(pc) =	sbr.rel @p0 .LBB2_6-.Ltmp2, $4  }
0xc7: {  	s0 =	sadd.s32 $0x820, s31;
	[sflag:s26] =	ssyncadd.s32 $0xFFFFD580  }
0xc8: {  	[spmem:s2] =	stream.indirect.scatter.add.f32 [tilespmem:s24], [sflag:$0x3], $0x88, s0, s22, $0xb8;
	[tilespmem:$0x1B460] =	vst v63  }
0xc9: {  	_ =	swait.ge [sflag:s20], $0x2A80  }
0xca: {  	s31 =	sshra.s32 s5, $0x2;
	s0 =	smov.u32 s6;
	[sflag:s20] =	ssyncset.done $0x0  }
0xcb: {  	s0 =	sadd.s32 $0x50, s31;
	[sflag:s20] =	ssyncadd.s32 $0xFFFFD580  }
0xcc: {  	[tilespmem:s24], [sflag:$0x2] =	stream.indirect.gather [hbm4b:s4+s22], $0x88, s0, s22, $0xb8;
	[tilespmem:$0x1B460] =	vst v63  }
0xcd: {  	_ =	swait.ge [sflag:s25], $0x2A80  }
0xce: {  	[sflag:s25] =	ssyncset.done $0x0  }
0xcf: {  	s5 =	sadd.s32 $0x7D0, s31;
	[sflag:s25] =	ssyncadd.s32 $0xFFFFD580  }
0xd0: {  	[spmem:s2] =	stream.indirect.scatter.add.f32 [tilespmem:s23], [sflag:$0x3], $0x88, s5, s22, $0xb8;
	[tilespmem:$0x1B460] =	vst v63  }
0xd1: {  	_ =	swait.ge [sflag:s20], $0x2A80  }
0xd2: {  	[sflag:s20] =	ssyncset.done $0x0  }
0xd3: {  	s6 =	sadd.s32 $0xA0, s31;
	[sflag:s20] =	ssyncadd.s32 $0xFFFFD580  }
0xd4: {  	[tilespmem:s23], [sflag:$0x1] =	stream.indirect.gather [hbm4b:s4+s22], $0x88, s6, s22, $0xb8;
	[tilespmem:$0x1B460] =	vst v63  }
0xd5: {  	_ =	swait.ge [sflag:s26], $0x2A80  }
0xd6: {  	[sflag:s26] =	ssyncset.done $0x0  }
0xd7: {  	s1 =	sadd.s32 $0x820, s31;
	[sflag:s26] =	ssyncadd.s32 $0xFFFFD580  }
0xd8: {  	[spmem:s2] =	stream.indirect.scatter.add.f32 [tilespmem:s24], [sflag:$0x3], $0x88, s1, s22, $0xb8;
	[tilespmem:$0x1B460] =	vst v63  }
0xd9: {  	_ =	swait.ge [sflag:s20], $0x2A80  }
0xda: {  	[sflag:s20] =	ssyncset.done $0x0  }
0xdb: {  	[sflag:s20] =	ssyncadd.s32 $0xFFFFD580  }
0xdc: {  	_ =	swait.ge [sflag:s25], $0x2A80  }
0xdd: {  	[sflag:s25] =	ssyncset.done $0x0  }
0xde: {  	[sflag:s25] =	ssyncadd.s32 $0xFFFFD580  }
0xdf: {  	[spmem:s2] =	stream.indirect.scatter.add.f32 [tilespmem:s23], [sflag:$0x3], $0x88, s28, s22, $0xb8;
	[tilespmem:$0x1B460] =	vst v63  }
0xe0: {  	_ =	swait.ge [sflag:s20], $0x2A80  }
0xe1: {  	[sflag:s20] =	ssyncset.done $0x0  }
0xe2: {  	s5 =	simm.s32 $0x0;
	[sflag:s20] =	ssyncadd.s32 $0xFFFFD580  }
0xe3: {  	[tilespmem:s5], [sflag:$0x3] =	stream.linear.gather [hbm4b:s14+s5], $0x7D0, $0x38;
	[tilespmem:$0x1B460] =	vst v63  }
0xe4: {  	_ =	swait.ge [sflag:s20], $0x7D0  }
0xe5: {  	[sflag:s20] =	ssyncset.done $0x0  }
0xe6: {  	[sflag:s20] =	ssyncadd.s32 $0xFFFFF830  }
0xe7: {  	[tilespmem:s21], [sflag:$0x3] =	stream.linear.gather [hbm4b:s15+s5], $0x7D0, $0x38;
	[tilespmem:$0x1B460] =	vst v63  }
0xe8: {  	_ =	swait.ge [sflag:s20], $0x7D0  }
0xe9: {  	[sflag:s20] =	ssyncset.done $0x0  }
0xea: {  	[sflag:s20] =	ssyncadd.s32 $0xFFFFF830  }
0xeb: {  	[tilespmem:s23], [sflag:$0x1] =	stream.indirect.gather [hbm4b:s4+s22], $0x88, s5, s22, $0xb8;
	[tilespmem:$0x1B460] =	vst v63  }
0xec: {  	s6 =	simm.s32 $0x50  }
0xed: {  	[tilespmem:s24], [sflag:$0x2] =	stream.indirect.gather [hbm4b:s4+s22], $0x88, s6, s22, $0xb8;
	[tilespmem:$0x1B460] =	vst v63  }
0xee: {  	_ =	swait.ge [sflag:s25], $0x2A80  }
0xef: {  	[sflag:s25] =	ssyncset.done $0x0  }
0xf0: {  	s1 =	simm.s32 $0x7D0;
	[sflag:s25] =	ssyncadd.s32 $0xFFFFD580  }
0xf1: {  	[spmem:s2] =	stream.indirect.scatter.add.f32 [tilespmem:s23], [sflag:$0x3], $0x88, s1, s22, $0xb8;
	[tilespmem:$0x1B460] =	vst v63  }
0xf2: {  	_ =	swait.ge [sflag:s20], $0x2A80  }
0xf3: {  	[sflag:s20] =	ssyncset.done $0x0  }
0xf4: {  	s5 =	simm.s32 $0xA0;
	[sflag:s20] =	ssyncadd.s32 $0xFFFFD580  }
0xf5: {  	[tilespmem:s23], [sflag:$0x1] =	stream.indirect.gather [hbm4b:s4+s22], $0x88, s5, s22, $0xb8;
	[tilespmem:$0x1B460] =	vst v63  }
0xf6: {  	_ =	swait.ge [sflag:s26], $0x2A80  }
0xf7: {  	[sflag:s26] =	ssyncset.done $0x0  }
0xf8: {  	s6 =	simm.s32 $0x820;
	[sflag:s26] =	ssyncadd.s32 $0xFFFFD580  }
0xf9: {  	[spmem:s2] =	stream.indirect.scatter.add.f32 [tilespmem:s24], [sflag:$0x3], $0x88, s6, s22, $0xb8;
	[tilespmem:$0x1B460] =	vst v63  }
0xfa: {  	_ =	swait.ge [sflag:s20], $0x2A80  }
0xfb: {  	s31 =	simm.s32 $0xA0;
	s0 =	simm.s32 $0x500;
	[sflag:s20] =	ssyncset.done $0x0  }
.LBB2_8:
0xfc: {  	s1 =	sadd.s32 $0x50, s31  }
0xfd: {  	[sflag:s20] =	ssyncadd.s32 $0xFFFFD580;
	s5 =	smov.u32 s0;
	s6 =	sadd.s32 $0x280, s0  }
0xfe: {  	[tilespmem:s24], [sflag:$0x2] =	stream.indirect.gather [hbm4b:s4+s22], $0x88, s1, s22, $0xb8;
	[tilespmem:$0x1B460] =	vst v63  }
0xff: {  	p0 =	sne.s32 s0, $0x1B80;
	_ =	swait.ge [sflag:s25], $0x2A80  }
0x100: {  	[sflag:s25] =	ssyncset.done $0x0  }
0x101: {  	s0 =	sadd.s32 $0x7D0, s31;
	[sflag:s25] =	ssyncadd.s32 $0xFFFFD580  }
0x102: {  	[spmem:s2] =	stream.indirect.scatter.add.f32 [tilespmem:s23], [sflag:$0x3], $0x88, s0, s22, $0xb8;
	[tilespmem:$0x1B460] =	vst v63  }
0x103: {  	_ =	swait.ge [sflag:s20], $0x2A80  }
0x104: {  	[sflag:s20] =	ssyncset.done $0x0  }
0x105: {  	s0 =	sadd.s32 $0xA0, s31;
	[sflag:s20] =	ssyncadd.s32 $0xFFFFD580  }
0x106: {  	[tilespmem:s23], [sflag:$0x1] =	stream.indirect.gather [hbm4b:s4+s22], $0x88, s0, s22, $0xb8;
	[tilespmem:$0x1B460] =	vst v63  }
0x107: {  	_ =	swait.ge [sflag:s26], $0x2A80  }
.Ltmp3:
0x108: {  	[sflag:s26] =	ssyncset.done $0x0;
	(pc) =	sbr.rel @p0 .LBB2_8-.Ltmp3, $4  }
0x109: {  	s0 =	sadd.s32 $0x820, s31;
	[sflag:s26] =	ssyncadd.s32 $0xFFFFD580  }
0x10a: {  	[spmem:s2] =	stream.indirect.scatter.add.f32 [tilespmem:s24], [sflag:$0x3], $0x88, s0, s22, $0xb8;
	[tilespmem:$0x1B460] =	vst v63  }
0x10b: {  	_ =	swait.ge [sflag:s20], $0x2A80  }
0x10c: {  	s31 =	sshra.s32 s5, $0x2;
	s0 =	smov.u32 s6;
	[sflag:s20] =	ssyncset.done $0x0  }
0x10d: {  	s0 =	sadd.s32 $0x50, s31;
	[sflag:s20] =	ssyncadd.s32 $0xFFFFD580  }
0x10e: {  	[tilespmem:s24], [sflag:$0x2] =	stream.indirect.gather [hbm4b:s4+s22], $0x88, s0, s22, $0xb8;
	[tilespmem:$0x1B460] =	vst v63  }
0x10f: {  	_ =	swait.ge [sflag:s25], $0x2A80  }
0x110: {  	[sflag:s25] =	ssyncset.done $0x0  }
0x111: {  	s5 =	sadd.s32 $0x7D0, s31;
	[sflag:s25] =	ssyncadd.s32 $0xFFFFD580  }
0x112: {  	[spmem:s2] =	stream.indirect.scatter.add.f32 [tilespmem:s23], [sflag:$0x3], $0x88, s5, s22, $0xb8;
	[tilespmem:$0x1B460] =	vst v63  }
0x113: {  	_ =	swait.ge [sflag:s20], $0x2A80  }
0x114: {  	[sflag:s20] =	ssyncset.done $0x0  }
0x115: {  	s6 =	sadd.s32 $0xA0, s31;
	[sflag:s20] =	ssyncadd.s32 $0xFFFFD580  }
0x116: {  	[tilespmem:s23], [sflag:$0x1] =	stream.indirect.gather [hbm4b:s4+s22], $0x88, s6, s22, $0xb8;
	[tilespmem:$0x1B460] =	vst v63  }
0x117: {  	_ =	swait.ge [sflag:s26], $0x2A80  }
0x118: {  	[sflag:s26] =	ssyncset.done $0x0  }
0x119: {  	s1 =	sadd.s32 $0x820, s31;
	[sflag:s26] =	ssyncadd.s32 $0xFFFFD580  }
0x11a: {  	[spmem:s2] =	stream.indirect.scatter.add.f32 [tilespmem:s24], [sflag:$0x3], $0x88, s1, s22, $0xb8;
	[tilespmem:$0x1B460] =	vst v63  }
0x11b: {  	_ =	swait.ge [sflag:s20], $0x2A80  }
0x11c: {  	[sflag:s20] =	ssyncset.done $0x0  }
0x11d: {  	[sflag:s20] =	ssyncadd.s32 $0xFFFFD580  }
0x11e: {  	_ =	swait.ge [sflag:s25], $0x2A80  }
0x11f: {  	[sflag:s25] =	ssyncset.done $0x0  }
0x120: {  	[sflag:s25] =	ssyncadd.s32 $0xFFFFD580  }
0x121: {  	[spmem:s2] =	stream.indirect.scatter.add.f32 [tilespmem:s23], [sflag:$0x3], $0x88, s28, s22, $0xb8;
	[tilespmem:$0x1B460] =	vst v63  }
0x122: {  	_ =	swait.ge [sflag:s20], $0x2A80  }
0x123: {  	[sflag:s20] =	ssyncset.done $0x0  }
0x124: {  	s5 =	simm.s32 $0x0;
	[sflag:s20] =	ssyncadd.s32 $0xFFFFD580  }
0x125: {  	[tilespmem:s5], [sflag:$0x3] =	stream.linear.gather [hbm4b:s16+s5], $0x7D0, $0x38;
	[tilespmem:$0x1B460] =	vst v63  }
0x126: {  	_ =	swait.ge [sflag:s20], $0x7D0  }
0x127: {  	[sflag:s20] =	ssyncset.done $0x0  }
0x128: {  	[sflag:s20] =	ssyncadd.s32 $0xFFFFF830  }
0x129: {  	[tilespmem:s21], [sflag:$0x3] =	stream.linear.gather [hbm4b:s17+s5], $0x7D0, $0x38;
	[tilespmem:$0x1B460] =	vst v63  }
0x12a: {  	_ =	swait.ge [sflag:s20], $0x7D0  }
0x12b: {  	[sflag:s20] =	ssyncset.done $0x0  }
0x12c: {  	[sflag:s20] =	ssyncadd.s32 $0xFFFFF830  }
0x12d: {  	[tilespmem:s23], [sflag:$0x1] =	stream.indirect.gather [hbm4b:s4+s22], $0x88, s5, s22, $0xb8;
	[tilespmem:$0x1B460] =	vst v63  }
0x12e: {  	s6 =	simm.s32 $0x50  }
0x12f: {  	[tilespmem:s24], [sflag:$0x2] =	stream.indirect.gather [hbm4b:s4+s22], $0x88, s6, s22, $0xb8;
	[tilespmem:$0x1B460] =	vst v63  }
0x130: {  	_ =	swait.ge [sflag:s25], $0x2A80  }
0x131: {  	[sflag:s25] =	ssyncset.done $0x0  }
0x132: {  	s1 =	simm.s32 $0x7D0;
	[sflag:s25] =	ssyncadd.s32 $0xFFFFD580  }
0x133: {  	[spmem:s2] =	stream.indirect.scatter.add.f32 [tilespmem:s23], [sflag:$0x3], $0x88, s1, s22, $0xb8;
	[tilespmem:$0x1B460] =	vst v63  }
0x134: {  	_ =	swait.ge [sflag:s20], $0x2A80  }
0x135: {  	[sflag:s20] =	ssyncset.done $0x0  }
0x136: {  	s5 =	simm.s32 $0xA0;
	[sflag:s20] =	ssyncadd.s32 $0xFFFFD580  }
0x137: {  	[tilespmem:s23], [sflag:$0x1] =	stream.indirect.gather [hbm4b:s4+s22], $0x88, s5, s22, $0xb8;
	[tilespmem:$0x1B460] =	vst v63  }
0x138: {  	_ =	swait.ge [sflag:s26], $0x2A80  }
0x139: {  	[sflag:s26] =	ssyncset.done $0x0  }
0x13a: {  	s6 =	simm.s32 $0x820;
	[sflag:s26] =	ssyncadd.s32 $0xFFFFD580  }
0x13b: {  	[spmem:s2] =	stream.indirect.scatter.add.f32 [tilespmem:s24], [sflag:$0x3], $0x88, s6, s22, $0xb8;
	[tilespmem:$0x1B460] =	vst v63  }
0x13c: {  	_ =	swait.ge [sflag:s20], $0x2A80  }
0x13d: {  	s31 =	simm.s32 $0xA0;
	s0 =	simm.s32 $0x500;
	[sflag:s20] =	ssyncset.done $0x0  }
.LBB2_10:
0x13e: {  	s1 =	sadd.s32 $0x50, s31  }
0x13f: {  	[sflag:s20] =	ssyncadd.s32 $0xFFFFD580;
	s5 =	smov.u32 s0;
	s6 =	sadd.s32 $0x280, s0  }
0x140: {  	[tilespmem:s24], [sflag:$0x2] =	stream.indirect.gather [hbm4b:s4+s22], $0x88, s1, s22, $0xb8;
	[tilespmem:$0x1B460] =	vst v63  }
0x141: {  	p0 =	sne.s32 s0, $0x1B80;
	_ =	swait.ge [sflag:s25], $0x2A80  }
0x142: {  	[sflag:s25] =	ssyncset.done $0x0  }
0x143: {  	s0 =	sadd.s32 $0x7D0, s31;
	[sflag:s25] =	ssyncadd.s32 $0xFFFFD580  }
0x144: {  	[spmem:s2] =	stream.indirect.scatter.add.f32 [tilespmem:s23], [sflag:$0x3], $0x88, s0, s22, $0xb8;
	[tilespmem:$0x1B460] =	vst v63  }
0x145: {  	_ =	swait.ge [sflag:s20], $0x2A80  }
0x146: {  	[sflag:s20] =	ssyncset.done $0x0  }
0x147: {  	s0 =	sadd.s32 $0xA0, s31;
	[sflag:s20] =	ssyncadd.s32 $0xFFFFD580  }
0x148: {  	[tilespmem:s23], [sflag:$0x1] =	stream.indirect.gather [hbm4b:s4+s22], $0x88, s0, s22, $0xb8;
	[tilespmem:$0x1B460] =	vst v63  }
0x149: {  	_ =	swait.ge [sflag:s26], $0x2A80  }
.Ltmp4:
0x14a: {  	[sflag:s26] =	ssyncset.done $0x0;
	(pc) =	sbr.rel @p0 .LBB2_10-.Ltmp4, $4  }
0x14b: {  	s0 =	sadd.s32 $0x820, s31;
	[sflag:s26] =	ssyncadd.s32 $0xFFFFD580  }
0x14c: {  	[spmem:s2] =	stream.indirect.scatter.add.f32 [tilespmem:s24], [sflag:$0x3], $0x88, s0, s22, $0xb8;
	[tilespmem:$0x1B460] =	vst v63  }
0x14d: {  	_ =	swait.ge [sflag:s20], $0x2A80  }
0x14e: {  	s31 =	sshra.s32 s5, $0x2;
	s0 =	smov.u32 s6;
	[sflag:s20] =	ssyncset.done $0x0  }
0x14f: {  	s0 =	sadd.s32 $0x50, s31;
	[sflag:s20] =	ssyncadd.s32 $0xFFFFD580  }
0x150: {  	[tilespmem:s24], [sflag:$0x2] =	stream.indirect.gather [hbm4b:s4+s22], $0x88, s0, s22, $0xb8;
	[tilespmem:$0x1B460] =	vst v63  }
0x151: {  	_ =	swait.ge [sflag:s25], $0x2A80  }
0x152: {  	[sflag:s25] =	ssyncset.done $0x0  }
0x153: {  	s5 =	sadd.s32 $0x7D0, s31;
	[sflag:s25] =	ssyncadd.s32 $0xFFFFD580  }
0x154: {  	[spmem:s2] =	stream.indirect.scatter.add.f32 [tilespmem:s23], [sflag:$0x3], $0x88, s5, s22, $0xb8;
	[tilespmem:$0x1B460] =	vst v63  }
0x155: {  	_ =	swait.ge [sflag:s20], $0x2A80  }
0x156: {  	[sflag:s20] =	ssyncset.done $0x0  }
0x157: {  	s6 =	sadd.s32 $0xA0, s31;
	[sflag:s20] =	ssyncadd.s32 $0xFFFFD580  }
0x158: {  	[tilespmem:s23], [sflag:$0x1] =	stream.indirect.gather [hbm4b:s4+s22], $0x88, s6, s22, $0xb8;
	[tilespmem:$0x1B460] =	vst v63  }
0x159: {  	_ =	swait.ge [sflag:s26], $0x2A80  }
0x15a: {  	[sflag:s26] =	ssyncset.done $0x0  }
0x15b: {  	s31 =	sadd.s32 $0x820, s31;
	[sflag:s26] =	ssyncadd.s32 $0xFFFFD580  }
0x15c: {  	[spmem:s2] =	stream.indirect.scatter.add.f32 [tilespmem:s24], [sflag:$0x3], $0x88, s31, s22, $0xb8;
	[tilespmem:$0x1B460] =	vst v63  }
0x15d: {  	_ =	swait.ge [sflag:s20], $0x2A80  }
0x15e: {  	[sflag:s20] =	ssyncset.done $0x0  }
0x15f: {  	[sflag:s20] =	ssyncadd.s32 $0xFFFFD580  }
0x160: {  	_ =	swait.ge [sflag:s25], $0x2A80  }
0x161: {  	[sflag:s25] =	ssyncset.done $0x0  }
0x162: {  	[sflag:s25] =	ssyncadd.s32 $0xFFFFD580  }
0x163: {  	[spmem:s2] =	stream.indirect.scatter.add.f32 [tilespmem:s23], [sflag:$0x3], $0x88, s28, s22, $0xb8;
	[tilespmem:$0x1B460] =	vst v63  }
0x164: {  	_ =	swait.ge [sflag:s20], $0x2A80  }
0x165: {  	s29 =	sadd.s32 $0x1, s29;
	[sflag:s20] =	ssyncset.done $0x0  }
0x166: {  	p0 =	sne.s32 s29, s19;
	[sflag:s20] =	ssyncadd.s32 $0xFFFFD580  }
.Ltmp5:
0x167: {  	[bflag:$0x0] =	sbarrier.arrive $0xFFFF;
	(pc) =	sbr.rel @p0 .LBB2_1-.Ltmp5, $4  }
0x168: {  	[hbm:s18], [sflag:s7] =	dma.local [spmem:s30], $0x29F8  }
0x169: {  	_ =	swait.ge [sflag:s20], $0x29F8  }
0x16a: {  	[sflag:s20] =	ssyncset.done $0x0  }
0x16b: {  	[sflag:s20] =	ssyncadd.s32 $0xFFFFD608  }
0x16c: {  	_ =	sfence.sel $0x180000  }
0x16d: {  	[bflag:$0x0] =	sbarrier.arrive $0xFFFF  }
0x16e: {  	_ =	strace $0x90000047  }
0x16f: {  	s0 =	stileid.u32;
	[bflag:$0x2] =	sbarrier.arrive $0xFFFF  }
0x170: {  	p0 =	sne.s32 s0, $0x0;
	s0 =	rddreg [dreg:$0x4]  }
0x171: {  	s0 =	sadd.s32 @!p0 $0x100000, s0  }
0x172: {  	[sflag:s0] =	ssyncadd.tile.s32 @!p0 $0x1;
	_ =	shalt  }
.Lfunc_end2:
_tile_overlayer_lowered:
.L_overlay_start_2:
0x173: {  	(tag) =	ssettag $0x2  }
0x174: {  	s0 =	rddreg [dreg:$0x0];
	s2 =	stileid.u32  }
0x175: {  	s1 =	rddreg [dreg:$0x1];
	p0 =	sne.s32 s2, $0x0  }
0x176: {  	s3 =	rddreg [dreg:$0x2];
	[bflag:$0x3] =	sbarrier.arrive $0xFFFF;
	s2 =	simm.s32 @!p0 $0x1C03  }
0x177: {  	[timem:s3], [sflag:s2] =	dma.local @!p0 [hbm:s0], s1  }
0x178: {  	s0 =	simm.s32 @!p0 $0x3  }
0x179: {  	_ =	swait.ge @!p0 [sflag:s0], s1  }
0x17a: {  	s1 =	ssub.s32 @!p0 $0x0, s1;
	[sflag:s0] =	ssyncset.done @!p0 $0x0  }
0x17b: {  	[sflag:s0] =	ssyncadd.s32 @!p0 s1  }
0x17c: {  	[bflag:$0x3] =	sbarrier.arrive $0xFFFF  }
0x17d: {  	_ =	shalt  }

</sc_bundles>
